<compile_context>
chip_gen: v7x
topology: tpu7x:2x2x1
jax: 0.10.2.dev20260603
libtpu: 0.0.44.dev20260713+nightly
codegen_flags: <defaults>
</compile_context>

<pallas_src>
import jax
import jax.numpy as jnp
from jax import lax
from jax.experimental import pallas as pl
from jax.experimental.pallas import tpu as pltpu
from jax.experimental.pallas import tpu_sc as plsc

NTOKEN = 256
MAX_PREFIX = 7
D_MODEL = 2048
SEQ_LEN = 2048
BATCH = 4

NC, NS, L = 2, 16, 16
NW = NC * NS
T_PER_W = SEQ_LEN // NW
T_G = L // BATCH
GROUPS = T_PER_W // T_G
NSEG = MAX_PREFIX + 1
T_WIN = T_PER_W + 8


def _body(src_hbm, out_hbm, src_v, buf0, buf1, sem0, sem1, src_sem):
    wid = lax.axis_index("s") * NC + lax.axis_index("c")
    zeros16_f = jnp.zeros((L,), jnp.float32)
    ones16_f = jnp.ones((L,), jnp.float32)
    zero16_i = jnp.zeros((L,), jnp.int32)
    lane = lax.iota(jnp.int32, L)
    t_loc = lane >> 2
    b_loc = lane & 3

    t_base = wid * T_PER_W
    t_lo = pl.multiple_of(jnp.maximum(t_base - 8, 0), 8)
    src_cp = pltpu.async_copy(src_hbm.at[pl.ds(t_lo, T_WIN)], src_v, src_sem)

    bufs = (buf0, buf1)
    sems = (sem0, sem1)

    def zero_buf(bf):
        @pl.loop(0, D_MODEL // L)
        def _zero(c):
            for tt in range(T_G):
                for bb in range(BATCH):
                    bf[tt, bb, pl.ds(c * L, L)] = zeros16_f

    def seg_cols_vals(t0):
        out = []
        for i in range(NSEG):
            t_idx = jnp.maximum(t0 - i + t_loc - t_lo, zero16_i)
            cols = plsc.load_gather(src_v, [t_idx, b_loc]) + (i * NTOKEN)
            vals = jnp.where(t0 + t_loc >= i, ones16_f, zeros16_f)
            out.append((cols, vals))
        return out

    def fill(bf, t0):
        for cols, vals in seg_cols_vals(t0):
            plsc.store_scatter(bf, [t_loc, b_loc, cols], vals)

    def clean(bf, t0_old):
        for cols, _ in seg_cols_vals(t0_old):
            plsc.store_scatter(bf, [t_loc, b_loc, cols], zeros16_f)

    def start(bf, t0, sem):
        return pltpu.async_copy(bf, out_hbm.at[pl.ds(t0, T_G)], sem)

    def drain(bf, t0, sem):
        pltpu.make_async_copy(bf, out_hbm.at[pl.ds(t0, T_G)], sem).wait()

    zero_buf(buf0)
    src_cp.wait()
    fill(buf0, t_base)
    start(buf0, t_base, sem0)
    zero_buf(buf1)
    fill(buf1, t_base + T_G)
    start(buf1, t_base + T_G, sem1)

    @pl.loop(1, GROUPS // 2)
    def _main(kk):
        for b in range(2):
            t0 = t_base + (kk * 2 + b) * T_G
            drain(bufs[b], t0 - 2 * T_G, sems[b])
            clean(bufs[b], t0 - 2 * T_G)
            fill(bufs[b], t0)
            start(bufs[b], t0, sems[b])

    t_last = t_base + (GROUPS - 2) * T_G
    drain(buf0, t_last, sem0)
    drain(buf1, t_last + T_G, sem1)


@jax.jit
def kernel(src):
    mesh = plsc.VectorSubcoreMesh(
        core_axis_name="c", subcore_axis_name="s", num_cores=NC, num_subcores=NS
    )
    k = pl.kernel(
        _body,
        out_type=jax.ShapeDtypeStruct((SEQ_LEN, BATCH, D_MODEL), jnp.float32),
        mesh=mesh,
        scratch_types=[
            pltpu.VMEM((T_WIN, BATCH), jnp.int32),
            pltpu.VMEM((T_G, BATCH, D_MODEL), jnp.float32),
            pltpu.VMEM((T_G, BATCH, D_MODEL), jnp.float32),
            pltpu.SemaphoreType.DMA,
            pltpu.SemaphoreType.DMA,
            pltpu.SemaphoreType.DMA,
        ],
        compiler_params=pltpu.CompilerParams(needs_layout_passes=False),
    )
    return k(src)

# --- scband reference (transcript-rebuilt; emitter-appended) ---
"""Pipeline reference for scband-custom-embedding-52140902973622 (READ-ONLY COPY).

The authoritative reference and input builder live on the scoring server;
editing this copy changes nothing except your own understanding.
"""

import jax, jax.numpy as jnp
import numpy as np

NTOKEN = 256
MAX_PREFIX_LEN = 7
D_MODEL = 2048
SEQ_LEN = 2048
BATCH = 4


def setup_inputs(seed: int = 0) -> dict:
    key = jax.random.key(seed)
    src = jax.random.randint(key, (SEQ_LEN, BATCH), 0, NTOKEN, dtype=jnp.int32)
    return {"src": src}


def reference(src):
    # CustomEmbedding.forward with n_syn_layers == 1:
    # builds an extended (shifted-prefix) one-hot encoding of shape
    # [seq_len, batch, d_model] via repeated scatter-overwrite.
    seq_len, batch = src.shape
    rows = jnp.arange(seq_len)[:, None]
    cols = jnp.arange(batch)[None, :]
    eoh = jnp.zeros((seq_len, batch, D_MODEL), dtype=jnp.float32)
    # extended_one_hot.scatter_(2, src.unsqueeze(-1), 1)
    eoh = eoh.at[rows, cols, src].set(1.0)
    for i in range(1, MAX_PREFIX_LEN + 1):
        # src_temp = zeros_like(src); src_temp[i:] = src[:-i]; src_temp += i*ntoken
        src_temp = jnp.zeros_like(src).at[i:, :].set(src[:-i, :])
        src_temp = src_temp + i * NTOKEN
        eoh = eoh.at[rows, cols, src_temp].set(1.0)
        # extended_one_hot[0:i, :, ntoken*i] = 0
        eoh = eoh.at[0:i, :, NTOKEN * i].set(0.0)
    return eoh

if __name__ == "__main__":
    import jax
    _d = setup_inputs()
    print(jax.jit(kernel)(*tuple(_d.values())))

</pallas_src>

<mosaic_0001>
#map = affine_map<(d0, d1) -> (0, 0)>
#map1 = affine_map<(d0, d1) -> (0, 0, 0)>
module attributes {stable_mosaic.version = 14 : i64} {
  func.func @_body(%arg0: i32, %arg1: i32, %arg2: memref<2048x4xi32, #tpu.memory_space<hbm>>, %arg3: memref<2048x4x2048xf32, #tpu.memory_space<hbm>>, %arg4: memref<72x4xi32, #tpu.memory_space<vmem>>, %arg5: memref<4x4x2048xf32, #tpu.memory_space<vmem>>, %arg6: memref<4x4x2048xf32, #tpu.memory_space<vmem>>, %arg7: memref<!tpu.dma_semaphore, #tpu.memory_space<semaphore_mem>>, %arg8: memref<!tpu.dma_semaphore, #tpu.memory_space<semaphore_mem>>, %arg9: memref<!tpu.dma_semaphore, #tpu.memory_space<semaphore_mem>>) attributes {dimension_semantics = [#tpu.dimension_semantics<core_parallel>, #tpu.dimension_semantics<subcore_parallel>], iteration_bounds = array<i64: 2, 16>, scalar_prefetch = 0 : i64, scratch_operands = 6 : i64, tpu.core_type = #tpu.core_type<sc_vector_subcore>, window_params = [{transform_indices = #map}, {transform_indices = #map1}]} {
    %mul3A = arith.constant 2 : i32
    %mul3A_0 = arith.muli %arg1, %mul3A : i32
    %add3A = arith.addi %mul3A_0, %arg0 : i32
    %broadcast_in_dim3A = arith.constant 0.000000e+00 : f32
    %broadcast_in_dim3A_1 = vector.broadcast %broadcast_in_dim3A : f32 to vector<16xf32>
    %broadcast_in_dim3A_2 = arith.constant 1.000000e+00 : f32
    %broadcast_in_dim3A_3 = vector.broadcast %broadcast_in_dim3A_2 : f32 to vector<16xf32>
    %broadcast_in_dim3A_4 = arith.constant 0 : i32
    %broadcast_in_dim3A_5 = vector.broadcast %broadcast_in_dim3A_4 : i32 to vector<16xi32>
    %iota3A = tpu.iota {dimensions = array<i32: 0>} : vector<16xi32>
    %shift_right_arithmetic3A = arith.constant 2 : i32
    %shift_right_arithmetic3A_6 = vector.broadcast %shift_right_arithmetic3A : i32 to vector<16xi32>
    %shift_right_arithmetic3A_7 = arith.shrsi %iota3A, %shift_right_arithmetic3A_6 : vector<16xi32>
    %and3A = arith.constant 3 : i32
    %and3A_8 = vector.broadcast %and3A : i32 to vector<16xi32>
    %and3A_9 = arith.andi %iota3A, %and3A_8 : vector<16xi32>
    %mul3A_10 = arith.constant 64 : i32
    %mul3A_11 = arith.muli %add3A, %mul3A_10 : i32
    %sub3A = arith.constant 8 : i32
    %sub3A_12 = arith.subi %mul3A_11, %sub3A : i32
    %max3A = arith.constant 0 : i32
    %max3A_13 = arith.maxsi %sub3A_12, %max3A : i32
    %multiple_of3A = tpu.assume_multiple %max3A_13, 8 : i32
    %dma_start3A = arith.constant 0 : i32
    %dma_start3A_14 = tpu.memref_slice %arg2[%multiple_of3A, %dma_start3A] : memref<2048x4xi32, #tpu.memory_space<hbm>> -> memref<72x4xi32, #tpu.memory_space<hbm>>
    %dma_start3A_15 = arith.constant 0 : i32
    %dma_start3A_16 = tpu.memref_slice %arg2[%multiple_of3A, %dma_start3A_15] : memref<2048x4xi32, #tpu.memory_space<hbm>> -> memref<72x4xi32, #tpu.memory_space<hbm>>
    tpu.enqueue_dma source(%dma_start3A_16 : memref<72x4xi32, #tpu.memory_space<hbm>>) target(%arg4 : memref<72x4xi32, #tpu.memory_space<vmem>>) target_semaphore(%arg9 : memref<!tpu.dma_semaphore, #tpu.memory_space<semaphore_mem>>)
    %scan3A = arith.constant 0 : i32
    %scan3A_17 = arith.constant 128 : i32
    %scan3A_18 = arith.addi %scan3A, %scan3A_17 : i32
    %scan3A_19 = arith.constant 1 : i32
    scf.for %scan3A_335 = %scan3A to %scan3A_18 step %scan3A_19  : i32 {
      %mul3A_336 = arith.constant 1 : i32
      %mul3A_337 = arith.muli %scan3A_335, %mul3A_336 : i32
      %add3A_338 = arith.constant 0 : i32
      %add3A_339 = arith.addi %add3A_338, %mul3A_337 : i32
      %mul3A_340 = arith.constant 16 : i32
      %mul3A_341 = arith.muli %add3A_339, %mul3A_340 : i32
      %swap3A = arith.constant 0 : i32
      %swap3A_342 = arith.constant 0 : i32
      %swap3A_343 = arith.index_cast %swap3A : i32 to index
      %swap3A_344 = arith.index_cast %swap3A_342 : i32 to index
      %swap3A_345 = arith.index_cast %mul3A_341 : i32 to index
      %swap3A_346 = tpu.vector_load %arg5[%swap3A_343, %swap3A_344, %swap3A_345] {strides = array<i32>} : memref<4x4x2048xf32, #tpu.memory_space<vmem>>, vector<16xf32>,
      tpu.vector_store %arg5[%swap3A_343, %swap3A_344, %swap3A_345], %broadcast_in_dim3A_1 {strides = array<i32>} : memref<4x4x2048xf32, #tpu.memory_space<vmem>>, vector<16xf32>,
      %mul3A_347 = arith.constant 16 : i32
      %mul3A_348 = arith.muli %add3A_339, %mul3A_347 : i32
      %swap3A_349 = arith.constant 0 : i32
      %swap3A_350 = arith.constant 1 : i32
      %swap3A_351 = arith.index_cast %swap3A_349 : i32 to index
      %swap3A_352 = arith.index_cast %swap3A_350 : i32 to index
      %swap3A_353 = arith.index_cast %mul3A_348 : i32 to index
      %swap3A_354 = tpu.vector_load %arg5[%swap3A_351, %swap3A_352, %swap3A_353] {strides = array<i32>} : memref<4x4x2048xf32, #tpu.memory_space<vmem>>, vector<16xf32>,
      tpu.vector_store %arg5[%swap3A_351, %swap3A_352, %swap3A_353], %broadcast_in_dim3A_1 {strides = array<i32>} : memref<4x4x2048xf32, #tpu.memory_space<vmem>>, vector<16xf32>,
      %mul3A_355 = arith.constant 16 : i32
      %mul3A_356 = arith.muli %add3A_339, %mul3A_355 : i32
      %swap3A_357 = arith.constant 0 : i32
      %swap3A_358 = arith.constant 2 : i32
      %swap3A_359 = arith.index_cast %swap3A_357 : i32 to index
      %swap3A_360 = arith.index_cast %swap3A_358 : i32 to index
      %swap3A_361 = arith.index_cast %mul3A_356 : i32 to index
      %swap3A_362 = tpu.vector_load %arg5[%swap3A_359, %swap3A_360, %swap3A_361] {strides = array<i32>} : memref<4x4x2048xf32, #tpu.memory_space<vmem>>, vector<16xf32>,
      tpu.vector_store %arg5[%swap3A_359, %swap3A_360, %swap3A_361], %broadcast_in_dim3A_1 {strides = array<i32>} : memref<4x4x2048xf32, #tpu.memory_space<vmem>>, vector<16xf32>,
      %mul3A_363 = arith.constant 16 : i32
      %mul3A_364 = arith.muli %add3A_339, %mul3A_363 : i32
      %swap3A_365 = arith.constant 0 : i32
      %swap3A_366 = arith.constant 3 : i32
      %swap3A_367 = arith.index_cast %swap3A_365 : i32 to index
      %swap3A_368 = arith.index_cast %swap3A_366 : i32 to index
      %swap3A_369 = arith.index_cast %mul3A_364 : i32 to index
      %swap3A_370 = tpu.vector_load %arg5[%swap3A_367, %swap3A_368, %swap3A_369] {strides = array<i32>} : memref<4x4x2048xf32, #tpu.memory_space<vmem>>, vector<16xf32>,
      tpu.vector_store %arg5[%swap3A_367, %swap3A_368, %swap3A_369], %broadcast_in_dim3A_1 {strides = array<i32>} : memref<4x4x2048xf32, #tpu.memory_space<vmem>>, vector<16xf32>,
      %mul3A_371 = arith.constant 16 : i32
      %mul3A_372 = arith.muli %add3A_339, %mul3A_371 : i32
      %swap3A_373 = arith.constant 1 : i32
      %swap3A_374 = arith.constant 0 : i32
      %swap3A_375 = arith.index_cast %swap3A_373 : i32 to index
      %swap3A_376 = arith.index_cast %swap3A_374 : i32 to index
      %swap3A_377 = arith.index_cast %mul3A_372 : i32 to index
      %swap3A_378 = tpu.vector_load %arg5[%swap3A_375, %swap3A_376, %swap3A_377] {strides = array<i32>} : memref<4x4x2048xf32, #tpu.memory_space<vmem>>, vector<16xf32>,
      tpu.vector_store %arg5[%swap3A_375, %swap3A_376, %swap3A_377], %broadcast_in_dim3A_1 {strides = array<i32>} : memref<4x4x2048xf32, #tpu.memory_space<vmem>>, vector<16xf32>,
      %mul3A_379 = arith.constant 16 : i32
      %mul3A_380 = arith.muli %add3A_339, %mul3A_379 : i32
      %swap3A_381 = arith.constant 1 : i32
      %swap3A_382 = arith.constant 1 : i32
      %swap3A_383 = arith.index_cast %swap3A_381 : i32 to index
      %swap3A_384 = arith.index_cast %swap3A_382 : i32 to index
      %swap3A_385 = arith.index_cast %mul3A_380 : i32 to index
      %swap3A_386 = tpu.vector_load %arg5[%swap3A_383, %swap3A_384, %swap3A_385] {strides = array<i32>} : memref<4x4x2048xf32, #tpu.memory_space<vmem>>, vector<16xf32>,
      tpu.vector_store %arg5[%swap3A_383, %swap3A_384, %swap3A_385], %broadcast_in_dim3A_1 {strides = array<i32>} : memref<4x4x2048xf32, #tpu.memory_space<vmem>>, vector<16xf32>,
      %mul3A_387 = arith.constant 16 : i32
      %mul3A_388 = arith.muli %add3A_339, %mul3A_387 : i32
      %swap3A_389 = arith.constant 1 : i32
      %swap3A_390 = arith.constant 2 : i32
      %swap3A_391 = arith.index_cast %swap3A_389 : i32 to index
      %swap3A_392 = arith.index_cast %swap3A_390 : i32 to index
      %swap3A_393 = arith.index_cast %mul3A_388 : i32 to index
      %swap3A_394 = tpu.vector_load %arg5[%swap3A_391, %swap3A_392, %swap3A_393] {strides = array<i32>} : memref<4x4x2048xf32, #tpu.memory_space<vmem>>, vector<16xf32>,
      tpu.vector_store %arg5[%swap3A_391, %swap3A_392, %swap3A_393], %broadcast_in_dim3A_1 {strides = array<i32>} : memref<4x4x2048xf32, #tpu.memory_space<vmem>>, vector<16xf32>,
      %mul3A_395 = arith.constant 16 : i32
      %mul3A_396 = arith.muli %add3A_339, %mul3A_395 : i32
      %swap3A_397 = arith.constant 1 : i32
      %swap3A_398 = arith.constant 3 : i32
      %swap3A_399 = arith.index_cast %swap3A_397 : i32 to index
      %swap3A_400 = arith.index_cast %swap3A_398 : i32 to index
      %swap3A_401 = arith.index_cast %mul3A_396 : i32 to index
      %swap3A_402 = tpu.vector_load %arg5[%swap3A_399, %swap3A_400, %swap3A_401] {strides = array<i32>} : memref<4x4x2048xf32, #tpu.memory_space<vmem>>, vector<16xf32>,
      tpu.vector_store %arg5[%swap3A_399, %swap3A_400, %swap3A_401], %broadcast_in_dim3A_1 {strides = array<i32>} : memref<4x4x2048xf32, #tpu.memory_space<vmem>>, vector<16xf32>,
      %mul3A_403 = arith.constant 16 : i32
      %mul3A_404 = arith.muli %add3A_339, %mul3A_403 : i32
      %swap3A_405 = arith.constant 2 : i32
      %swap3A_406 = arith.constant 0 : i32
      %swap3A_407 = arith.index_cast %swap3A_405 : i32 to index
      %swap3A_408 = arith.index_cast %swap3A_406 : i32 to index
      %swap3A_409 = arith.index_cast %mul3A_404 : i32 to index
      %swap3A_410 = tpu.vector_load %arg5[%swap3A_407, %swap3A_408, %swap3A_409] {strides = array<i32>} : memref<4x4x2048xf32, #tpu.memory_space<vmem>>, vector<16xf32>,
      tpu.vector_store %arg5[%swap3A_407, %swap3A_408, %swap3A_409], %broadcast_in_dim3A_1 {strides = array<i32>} : memref<4x4x2048xf32, #tpu.memory_space<vmem>>, vector<16xf32>,
      %mul3A_411 = arith.constant 16 : i32
      %mul3A_412 = arith.muli %add3A_339, %mul3A_411 : i32
      %swap3A_413 = arith.constant 2 : i32
      %swap3A_414 = arith.constant 1 : i32
      %swap3A_415 = arith.index_cast %swap3A_413 : i32 to index
      %swap3A_416 = arith.index_cast %swap3A_414 : i32 to index
      %swap3A_417 = arith.index_cast %mul3A_412 : i32 to index
      %swap3A_418 = tpu.vector_load %arg5[%swap3A_415, %swap3A_416, %swap3A_417] {strides = array<i32>} : memref<4x4x2048xf32, #tpu.memory_space<vmem>>, vector<16xf32>,
      tpu.vector_store %arg5[%swap3A_415, %swap3A_416, %swap3A_417], %broadcast_in_dim3A_1 {strides = array<i32>} : memref<4x4x2048xf32, #tpu.memory_space<vmem>>, vector<16xf32>,
      %mul3A_419 = arith.constant 16 : i32
      %mul3A_420 = arith.muli %add3A_339, %mul3A_419 : i32
      %swap3A_421 = arith.constant 2 : i32
      %swap3A_422 = arith.constant 2 : i32
      %swap3A_423 = arith.index_cast %swap3A_421 : i32 to index
      %swap3A_424 = arith.index_cast %swap3A_422 : i32 to index
      %swap3A_425 = arith.index_cast %mul3A_420 : i32 to index
      %swap3A_426 = tpu.vector_load %arg5[%swap3A_423, %swap3A_424, %swap3A_425] {strides = array<i32>} : memref<4x4x2048xf32, #tpu.memory_space<vmem>>, vector<16xf32>,
      tpu.vector_store %arg5[%swap3A_423, %swap3A_424, %swap3A_425], %broadcast_in_dim3A_1 {strides = array<i32>} : memref<4x4x2048xf32, #tpu.memory_space<vmem>>, vector<16xf32>,
      %mul3A_427 = arith.constant 16 : i32
      %mul3A_428 = arith.muli %add3A_339, %mul3A_427 : i32
      %swap3A_429 = arith.constant 2 : i32
      %swap3A_430 = arith.constant 3 : i32
      %swap3A_431 = arith.index_cast %swap3A_429 : i32 to index
      %swap3A_432 = arith.index_cast %swap3A_430 : i32 to index
      %swap3A_433 = arith.index_cast %mul3A_428 : i32 to index
      %swap3A_434 = tpu.vector_load %arg5[%swap3A_431, %swap3A_432, %swap3A_433] {strides = array<i32>} : memref<4x4x2048xf32, #tpu.memory_space<vmem>>, vector<16xf32>,
      tpu.vector_store %arg5[%swap3A_431, %swap3A_432, %swap3A_433], %broadcast_in_dim3A_1 {strides = array<i32>} : memref<4x4x2048xf32, #tpu.memory_space<vmem>>, vector<16xf32>,
      %mul3A_435 = arith.constant 16 : i32
      %mul3A_436 = arith.muli %add3A_339, %mul3A_435 : i32
      %swap3A_437 = arith.constant 3 : i32
      %swap3A_438 = arith.constant 0 : i32
      %swap3A_439 = arith.index_cast %swap3A_437 : i32 to index
      %swap3A_440 = arith.index_cast %swap3A_438 : i32 to index
      %swap3A_441 = arith.index_cast %mul3A_436 : i32 to index
      %swap3A_442 = tpu.vector_load %arg5[%swap3A_439, %swap3A_440, %swap3A_441] {strides = array<i32>} : memref<4x4x2048xf32, #tpu.memory_space<vmem>>, vector<16xf32>,
      tpu.vector_store %arg5[%swap3A_439, %swap3A_440, %swap3A_441], %broadcast_in_dim3A_1 {strides = array<i32>} : memref<4x4x2048xf32, #tpu.memory_space<vmem>>, vector<16xf32>,
      %mul3A_443 = arith.constant 16 : i32
      %mul3A_444 = arith.muli %add3A_339, %mul3A_443 : i32
      %swap3A_445 = arith.constant 3 : i32
      %swap3A_446 = arith.constant 1 : i32
      %swap3A_447 = arith.index_cast %swap3A_445 : i32 to index
      %swap3A_448 = arith.index_cast %swap3A_446 : i32 to index
      %swap3A_449 = arith.index_cast %mul3A_444 : i32 to index
      %swap3A_450 = tpu.vector_load %arg5[%swap3A_447, %swap3A_448, %swap3A_449] {strides = array<i32>} : memref<4x4x2048xf32, #tpu.memory_space<vmem>>, vector<16xf32>,
      tpu.vector_store %arg5[%swap3A_447, %swap3A_448, %swap3A_449], %broadcast_in_dim3A_1 {strides = array<i32>} : memref<4x4x2048xf32, #tpu.memory_space<vmem>>, vector<16xf32>,
      %mul3A_451 = arith.constant 16 : i32
      %mul3A_452 = arith.muli %add3A_339, %mul3A_451 : i32
      %swap3A_453 = arith.constant 3 : i32
      %swap3A_454 = arith.constant 2 : i32
      %swap3A_455 = arith.index_cast %swap3A_453 : i32 to index
      %swap3A_456 = arith.index_cast %swap3A_454 : i32 to index
      %swap3A_457 = arith.index_cast %mul3A_452 : i32 to index
      %swap3A_458 = tpu.vector_load %arg5[%swap3A_455, %swap3A_456, %swap3A_457] {strides = array<i32>} : memref<4x4x2048xf32, #tpu.memory_space<vmem>>, vector<16xf32>,
      tpu.vector_store %arg5[%swap3A_455, %swap3A_456, %swap3A_457], %broadcast_in_dim3A_1 {strides = array<i32>} : memref<4x4x2048xf32, #tpu.memory_space<vmem>>, vector<16xf32>,
      %mul3A_459 = arith.constant 16 : i32
      %mul3A_460 = arith.muli %add3A_339, %mul3A_459 : i32
      %swap3A_461 = arith.constant 3 : i32
      %swap3A_462 = arith.constant 3 : i32
      %swap3A_463 = arith.index_cast %swap3A_461 : i32 to index
      %swap3A_464 = arith.index_cast %swap3A_462 : i32 to index
      %swap3A_465 = arith.index_cast %mul3A_460 : i32 to index
      %swap3A_466 = tpu.vector_load %arg5[%swap3A_463, %swap3A_464, %swap3A_465] {strides = array<i32>} : memref<4x4x2048xf32, #tpu.memory_space<vmem>>, vector<16xf32>,
      tpu.vector_store %arg5[%swap3A_463, %swap3A_464, %swap3A_465], %broadcast_in_dim3A_1 {strides = array<i32>} : memref<4x4x2048xf32, #tpu.memory_space<vmem>>, vector<16xf32>,
    }
    %scan3A_20 = arith.constant 128 : i32
    %dma_wait3A = arith.constant 0 : i32
    %dma_wait3A_21 = tpu.memref_slice %arg2[%multiple_of3A, %dma_wait3A] : memref<2048x4xi32, #tpu.memory_space<hbm>> -> memref<72x4xi32, #tpu.memory_space<hbm>>
    %dma_wait3A_22 = arith.constant 0 : i32
    %dma_wait3A_23 = tpu.memref_slice %arg2[%multiple_of3A, %dma_wait3A_22] : memref<2048x4xi32, #tpu.memory_space<hbm>> -> memref<72x4xi32, #tpu.memory_space<hbm>>
    tpu.wait_dma2 semaphore(%arg9 : memref<!tpu.dma_semaphore, #tpu.memory_space<semaphore_mem>>) src(%dma_wait3A_23 : memref<72x4xi32, #tpu.memory_space<hbm>>) dst(%arg4 : memref<72x4xi32, #tpu.memory_space<vmem>>)
    %sub3A_24 = arith.constant 0 : i32
    %sub3A_25 = arith.subi %mul3A_11, %sub3A_24 : i32
    %add3A_26 = vector.broadcast %sub3A_25 : i32 to vector<16xi32>
    %add3A_27 = arith.addi %add3A_26, %shift_right_arithmetic3A_7 : vector<16xi32>
    %sub3A_28 = vector.broadcast %multiple_of3A : i32 to vector<16xi32>
    %sub3A_29 = arith.subi %add3A_27, %sub3A_28 : vector<16xi32>
    %max3A_30 = arith.maxsi %sub3A_29, %broadcast_in_dim3A_5 : vector<16xi32>
    %gather3A = tpu.vector_load_idx %arg4[%max3A_30, %and3A_9] : memref<72x4xi32, #tpu.memory_space<vmem>>[vector<16xi32>, vector<16xi32>], vector<16xi32>,
    %add3A_31 = arith.constant 0 : i32
    %add3A_32 = vector.broadcast %add3A_31 : i32 to vector<16xi32>
    %add3A_33 = arith.addi %gather3A, %add3A_32 : vector<16xi32>
    %add3A_34 = vector.broadcast %mul3A_11 : i32 to vector<16xi32>
    %add3A_35 = arith.addi %add3A_34, %shift_right_arithmetic3A_7 : vector<16xi32>
    %ge3A = arith.constant 0 : i32
    %ge3A_36 = vector.broadcast %ge3A : i32 to vector<16xi32>
    %ge3A_37 = arith.cmpi sge, %add3A_35, %ge3A_36 : vector<16xi32>
    %select_n3A = arith.select %ge3A_37, %broadcast_in_dim3A_3, %broadcast_in_dim3A_1 : vector<16xi1>, vector<16xf32>
    %sub3A_38 = arith.constant 1 : i32
    %sub3A_39 = arith.subi %mul3A_11, %sub3A_38 : i32
    %add3A_40 = vector.broadcast %sub3A_39 : i32 to vector<16xi32>
    %add3A_41 = arith.addi %add3A_40, %shift_right_arithmetic3A_7 : vector<16xi32>
    %sub3A_42 = vector.broadcast %multiple_of3A : i32 to vector<16xi32>
    %sub3A_43 = arith.subi %add3A_41, %sub3A_42 : vector<16xi32>
    %max3A_44 = arith.maxsi %sub3A_43, %broadcast_in_dim3A_5 : vector<16xi32>
    %gather3A_45 = tpu.vector_load_idx %arg4[%max3A_44, %and3A_9] : memref<72x4xi32, #tpu.memory_space<vmem>>[vector<16xi32>, vector<16xi32>], vector<16xi32>,
    %add3A_46 = arith.constant 256 : i32
    %add3A_47 = vector.broadcast %add3A_46 : i32 to vector<16xi32>
    %add3A_48 = arith.addi %gather3A_45, %add3A_47 : vector<16xi32>
    %add3A_49 = vector.broadcast %mul3A_11 : i32 to vector<16xi32>
    %add3A_50 = arith.addi %add3A_49, %shift_right_arithmetic3A_7 : vector<16xi32>
    %ge3A_51 = arith.constant 1 : i32
    %ge3A_52 = vector.broadcast %ge3A_51 : i32 to vector<16xi32>
    %ge3A_53 = arith.cmpi sge, %add3A_50, %ge3A_52 : vector<16xi32>
    %select_n3A_54 = arith.select %ge3A_53, %broadcast_in_dim3A_3, %broadcast_in_dim3A_1 : vector<16xi1>, vector<16xf32>
    %sub3A_55 = arith.constant 2 : i32
    %sub3A_56 = arith.subi %mul3A_11, %sub3A_55 : i32
    %add3A_57 = vector.broadcast %sub3A_56 : i32 to vector<16xi32>
    %add3A_58 = arith.addi %add3A_57, %shift_right_arithmetic3A_7 : vector<16xi32>
    %sub3A_59 = vector.broadcast %multiple_of3A : i32 to vector<16xi32>
    %sub3A_60 = arith.subi %add3A_58, %sub3A_59 : vector<16xi32>
    %max3A_61 = arith.maxsi %sub3A_60, %broadcast_in_dim3A_5 : vector<16xi32>
    %gather3A_62 = tpu.vector_load_idx %arg4[%max3A_61, %and3A_9] : memref<72x4xi32, #tpu.memory_space<vmem>>[vector<16xi32>, vector<16xi32>], vector<16xi32>,
    %add3A_63 = arith.constant 512 : i32
    %add3A_64 = vector.broadcast %add3A_63 : i32 to vector<16xi32>
    %add3A_65 = arith.addi %gather3A_62, %add3A_64 : vector<16xi32>
    %add3A_66 = vector.broadcast %mul3A_11 : i32 to vector<16xi32>
    %add3A_67 = arith.addi %add3A_66, %shift_right_arithmetic3A_7 : vector<16xi32>
    %ge3A_68 = arith.constant 2 : i32
    %ge3A_69 = vector.broadcast %ge3A_68 : i32 to vector<16xi32>
    %ge3A_70 = arith.cmpi sge, %add3A_67, %ge3A_69 : vector<16xi32>
    %select_n3A_71 = arith.select %ge3A_70, %broadcast_in_dim3A_3, %broadcast_in_dim3A_1 : vector<16xi1>, vector<16xf32>
    %sub3A_72 = arith.constant 3 : i32
    %sub3A_73 = arith.subi %mul3A_11, %sub3A_72 : i32
    %add3A_74 = vector.broadcast %sub3A_73 : i32 to vector<16xi32>
    %add3A_75 = arith.addi %add3A_74, %shift_right_arithmetic3A_7 : vector<16xi32>
    %sub3A_76 = vector.broadcast %multiple_of3A : i32 to vector<16xi32>
    %sub3A_77 = arith.subi %add3A_75, %sub3A_76 : vector<16xi32>
    %max3A_78 = arith.maxsi %sub3A_77, %broadcast_in_dim3A_5 : vector<16xi32>
    %gather3A_79 = tpu.vector_load_idx %arg4[%max3A_78, %and3A_9] : memref<72x4xi32, #tpu.memory_space<vmem>>[vector<16xi32>, vector<16xi32>], vector<16xi32>,
    %add3A_80 = arith.constant 768 : i32
    %add3A_81 = vector.broadcast %add3A_80 : i32 to vector<16xi32>
    %add3A_82 = arith.addi %gather3A_79, %add3A_81 : vector<16xi32>
    %add3A_83 = vector.broadcast %mul3A_11 : i32 to vector<16xi32>
    %add3A_84 = arith.addi %add3A_83, %shift_right_arithmetic3A_7 : vector<16xi32>
    %ge3A_85 = arith.constant 3 : i32
    %ge3A_86 = vector.broadcast %ge3A_85 : i32 to vector<16xi32>
    %ge3A_87 = arith.cmpi sge, %add3A_84, %ge3A_86 : vector<16xi32>
    %select_n3A_88 = arith.select %ge3A_87, %broadcast_in_dim3A_3, %broadcast_in_dim3A_1 : vector<16xi1>, vector<16xf32>
    %sub3A_89 = arith.constant 4 : i32
    %sub3A_90 = arith.subi %mul3A_11, %sub3A_89 : i32
    %add3A_91 = vector.broadcast %sub3A_90 : i32 to vector<16xi32>
    %add3A_92 = arith.addi %add3A_91, %shift_right_arithmetic3A_7 : vector<16xi32>
    %sub3A_93 = vector.broadcast %multiple_of3A : i32 to vector<16xi32>
    %sub3A_94 = arith.subi %add3A_92, %sub3A_93 : vector<16xi32>
    %max3A_95 = arith.maxsi %sub3A_94, %broadcast_in_dim3A_5 : vector<16xi32>
    %gather3A_96 = tpu.vector_load_idx %arg4[%max3A_95, %and3A_9] : memref<72x4xi32, #tpu.memory_space<vmem>>[vector<16xi32>, vector<16xi32>], vector<16xi32>,
    %add3A_97 = arith.constant 1024 : i32
    %add3A_98 = vector.broadcast %add3A_97 : i32 to vector<16xi32>
    %add3A_99 = arith.addi %gather3A_96, %add3A_98 : vector<16xi32>
    %add3A_100 = vector.broadcast %mul3A_11 : i32 to vector<16xi32>
    %add3A_101 = arith.addi %add3A_100, %shift_right_arithmetic3A_7 : vector<16xi32>
    %ge3A_102 = arith.constant 4 : i32
    %ge3A_103 = vector.broadcast %ge3A_102 : i32 to vector<16xi32>
    %ge3A_104 = arith.cmpi sge, %add3A_101, %ge3A_103 : vector<16xi32>
    %select_n3A_105 = arith.select %ge3A_104, %broadcast_in_dim3A_3, %broadcast_in_dim3A_1 : vector<16xi1>, vector<16xf32>
    %sub3A_106 = arith.constant 5 : i32
    %sub3A_107 = arith.subi %mul3A_11, %sub3A_106 : i32
    %add3A_108 = vector.broadcast %sub3A_107 : i32 to vector<16xi32>
    %add3A_109 = arith.addi %add3A_108, %shift_right_arithmetic3A_7 : vector<16xi32>
    %sub3A_110 = vector.broadcast %multiple_of3A : i32 to vector<16xi32>
    %sub3A_111 = arith.subi %add3A_109, %sub3A_110 : vector<16xi32>
    %max3A_112 = arith.maxsi %sub3A_111, %broadcast_in_dim3A_5 : vector<16xi32>
    %gather3A_113 = tpu.vector_load_idx %arg4[%max3A_112, %and3A_9] : memref<72x4xi32, #tpu.memory_space<vmem>>[vector<16xi32>, vector<16xi32>], vector<16xi32>,
    %add3A_114 = arith.constant 1280 : i32
    %add3A_115 = vector.broadcast %add3A_114 : i32 to vector<16xi32>
    %add3A_116 = arith.addi %gather3A_113, %add3A_115 : vector<16xi32>
    %add3A_117 = vector.broadcast %mul3A_11 : i32 to vector<16xi32>
    %add3A_118 = arith.addi %add3A_117, %shift_right_arithmetic3A_7 : vector<16xi32>
    %ge3A_119 = arith.constant 5 : i32
    %ge3A_120 = vector.broadcast %ge3A_119 : i32 to vector<16xi32>
    %ge3A_121 = arith.cmpi sge, %add3A_118, %ge3A_120 : vector<16xi32>
    %select_n3A_122 = arith.select %ge3A_121, %broadcast_in_dim3A_3, %broadcast_in_dim3A_1 : vector<16xi1>, vector<16xf32>
    %sub3A_123 = arith.constant 6 : i32
    %sub3A_124 = arith.subi %mul3A_11, %sub3A_123 : i32
    %add3A_125 = vector.broadcast %sub3A_124 : i32 to vector<16xi32>
    %add3A_126 = arith.addi %add3A_125, %shift_right_arithmetic3A_7 : vector<16xi32>
    %sub3A_127 = vector.broadcast %multiple_of3A : i32 to vector<16xi32>
    %sub3A_128 = arith.subi %add3A_126, %sub3A_127 : vector<16xi32>
    %max3A_129 = arith.maxsi %sub3A_128, %broadcast_in_dim3A_5 : vector<16xi32>
    %gather3A_130 = tpu.vector_load_idx %arg4[%max3A_129, %and3A_9] : memref<72x4xi32, #tpu.memory_space<vmem>>[vector<16xi32>, vector<16xi32>], vector<16xi32>,
    %add3A_131 = arith.constant 1536 : i32
    %add3A_132 = vector.broadcast %add3A_131 : i32 to vector<16xi32>
    %add3A_133 = arith.addi %gather3A_130, %add3A_132 : vector<16xi32>
    %add3A_134 = vector.broadcast %mul3A_11 : i32 to vector<16xi32>
    %add3A_135 = arith.addi %add3A_134, %shift_right_arithmetic3A_7 : vector<16xi32>
    %ge3A_136 = arith.constant 6 : i32
    %ge3A_137 = vector.broadcast %ge3A_136 : i32 to vector<16xi32>
    %ge3A_138 = arith.cmpi sge, %add3A_135, %ge3A_137 : vector<16xi32>
    %select_n3A_139 = arith.select %ge3A_138, %broadcast_in_dim3A_3, %broadcast_in_dim3A_1 : vector<16xi1>, vector<16xf32>
    %sub3A_140 = arith.constant 7 : i32
    %sub3A_141 = arith.subi %mul3A_11, %sub3A_140 : i32
    %add3A_142 = vector.broadcast %sub3A_141 : i32 to vector<16xi32>
    %add3A_143 = arith.addi %add3A_142, %shift_right_arithmetic3A_7 : vector<16xi32>
    %sub3A_144 = vector.broadcast %multiple_of3A : i32 to vector<16xi32>
    %sub3A_145 = arith.subi %add3A_143, %sub3A_144 : vector<16xi32>
    %max3A_146 = arith.maxsi %sub3A_145, %broadcast_in_dim3A_5 : vector<16xi32>
    %gather3A_147 = tpu.vector_load_idx %arg4[%max3A_146, %and3A_9] : memref<72x4xi32, #tpu.memory_space<vmem>>[vector<16xi32>, vector<16xi32>], vector<16xi32>,
    %add3A_148 = arith.constant 1792 : i32
    %add3A_149 = vector.broadcast %add3A_148 : i32 to vector<16xi32>
    %add3A_150 = arith.addi %gather3A_147, %add3A_149 : vector<16xi32>
    %add3A_151 = vector.broadcast %mul3A_11 : i32 to vector<16xi32>
    %add3A_152 = arith.addi %add3A_151, %shift_right_arithmetic3A_7 : vector<16xi32>
    %ge3A_153 = arith.constant 7 : i32
    %ge3A_154 = vector.broadcast %ge3A_153 : i32 to vector<16xi32>
    %ge3A_155 = arith.cmpi sge, %add3A_152, %ge3A_154 : vector<16xi32>
    %select_n3A_156 = arith.select %ge3A_155, %broadcast_in_dim3A_3, %broadcast_in_dim3A_1 : vector<16xi1>, vector<16xf32>
    tpu.vector_store_idx %arg5[%shift_right_arithmetic3A_7, %and3A_9, %add3A_33], %select_n3A : memref<4x4x2048xf32, #tpu.memory_space<vmem>>[vector<16xi32>, vector<16xi32>, vector<16xi32>], vector<16xf32>,
    tpu.vector_store_idx %arg5[%shift_right_arithmetic3A_7, %and3A_9, %add3A_48], %select_n3A_54 : memref<4x4x2048xf32, #tpu.memory_space<vmem>>[vector<16xi32>, vector<16xi32>, vector<16xi32>], vector<16xf32>,
    tpu.vector_store_idx %arg5[%shift_right_arithmetic3A_7, %and3A_9, %add3A_65], %select_n3A_71 : memref<4x4x2048xf32, #tpu.memory_space<vmem>>[vector<16xi32>, vector<16xi32>, vector<16xi32>], vector<16xf32>,
    tpu.vector_store_idx %arg5[%shift_right_arithmetic3A_7, %and3A_9, %add3A_82], %select_n3A_88 : memref<4x4x2048xf32, #tpu.memory_space<vmem>>[vector<16xi32>, vector<16xi32>, vector<16xi32>], vector<16xf32>,
    tpu.vector_store_idx %arg5[%shift_right_arithmetic3A_7, %and3A_9, %add3A_99], %select_n3A_105 : memref<4x4x2048xf32, #tpu.memory_space<vmem>>[vector<16xi32>, vector<16xi32>, vector<16xi32>], vector<16xf32>,
    tpu.vector_store_idx %arg5[%shift_right_arithmetic3A_7, %and3A_9, %add3A_116], %select_n3A_122 : memref<4x4x2048xf32, #tpu.memory_space<vmem>>[vector<16xi32>, vector<16xi32>, vector<16xi32>], vector<16xf32>,
    tpu.vector_store_idx %arg5[%shift_right_arithmetic3A_7, %and3A_9, %add3A_133], %select_n3A_139 : memref<4x4x2048xf32, #tpu.memory_space<vmem>>[vector<16xi32>, vector<16xi32>, vector<16xi32>], vector<16xf32>,
    tpu.vector_store_idx %arg5[%shift_right_arithmetic3A_7, %and3A_9, %add3A_150], %select_n3A_156 : memref<4x4x2048xf32, #tpu.memory_space<vmem>>[vector<16xi32>, vector<16xi32>, vector<16xi32>], vector<16xf32>,
    %dma_start3A_157 = arith.constant 0 : i32
    %dma_start3A_158 = arith.constant 0 : i32
    %dma_start3A_159 = tpu.memref_slice %arg3[%mul3A_11, %dma_start3A_157, %dma_start3A_158] : memref<2048x4x2048xf32, #tpu.memory_space<hbm>> -> memref<4x4x2048xf32, #tpu.memory_space<hbm>>
    %dma_start3A_160 = arith.constant 0 : i32
    %dma_start3A_161 = arith.constant 0 : i32
    %dma_start3A_162 = tpu.memref_slice %arg3[%mul3A_11, %dma_start3A_160, %dma_start3A_161] : memref<2048x4x2048xf32, #tpu.memory_space<hbm>> -> memref<4x4x2048xf32, #tpu.memory_space<hbm>>
    tpu.enqueue_dma source(%arg5 : memref<4x4x2048xf32, #tpu.memory_space<vmem>>) target(%dma_start3A_162 : memref<4x4x2048xf32, #tpu.memory_space<hbm>>) target_semaphore(%arg7 : memref<!tpu.dma_semaphore, #tpu.memory_space<semaphore_mem>>)
    %scan3A_163 = arith.constant 0 : i32
    %scan3A_164 = arith.constant 128 : i32
    %scan3A_165 = arith.addi %scan3A_163, %scan3A_164 : i32
    %scan3A_166 = arith.constant 1 : i32
    scf.for %scan3A_335 = %scan3A_163 to %scan3A_165 step %scan3A_166  : i32 {
      %mul3A_336 = arith.constant 1 : i32
      %mul3A_337 = arith.muli %scan3A_335, %mul3A_336 : i32
      %add3A_338 = arith.constant 0 : i32
      %add3A_339 = arith.addi %add3A_338, %mul3A_337 : i32
      %mul3A_340 = arith.constant 16 : i32
      %mul3A_341 = arith.muli %add3A_339, %mul3A_340 : i32
      %swap3A = arith.constant 0 : i32
      %swap3A_342 = arith.constant 0 : i32
      %swap3A_343 = arith.index_cast %swap3A : i32 to index
      %swap3A_344 = arith.index_cast %swap3A_342 : i32 to index
      %swap3A_345 = arith.index_cast %mul3A_341 : i32 to index
      %swap3A_346 = tpu.vector_load %arg6[%swap3A_343, %swap3A_344, %swap3A_345] {strides = array<i32>} : memref<4x4x2048xf32, #tpu.memory_space<vmem>>, vector<16xf32>,
      tpu.vector_store %arg6[%swap3A_343, %swap3A_344, %swap3A_345], %broadcast_in_dim3A_1 {strides = array<i32>} : memref<4x4x2048xf32, #tpu.memory_space<vmem>>, vector<16xf32>,
      %mul3A_347 = arith.constant 16 : i32
      %mul3A_348 = arith.muli %add3A_339, %mul3A_347 : i32
      %swap3A_349 = arith.constant 0 : i32
      %swap3A_350 = arith.constant 1 : i32
      %swap3A_351 = arith.index_cast %swap3A_349 : i32 to index
      %swap3A_352 = arith.index_cast %swap3A_350 : i32 to index
      %swap3A_353 = arith.index_cast %mul3A_348 : i32 to index
      %swap3A_354 = tpu.vector_load %arg6[%swap3A_351, %swap3A_352, %swap3A_353] {strides = array<i32>} : memref<4x4x2048xf32, #tpu.memory_space<vmem>>, vector<16xf32>,
      tpu.vector_store %arg6[%swap3A_351, %swap3A_352, %swap3A_353], %broadcast_in_dim3A_1 {strides = array<i32>} : memref<4x4x2048xf32, #tpu.memory_space<vmem>>, vector<16xf32>,
      %mul3A_355 = arith.constant 16 : i32
      %mul3A_356 = arith.muli %add3A_339, %mul3A_355 : i32
      %swap3A_357 = arith.constant 0 : i32
      %swap3A_358 = arith.constant 2 : i32
      %swap3A_359 = arith.index_cast %swap3A_357 : i32 to index
      %swap3A_360 = arith.index_cast %swap3A_358 : i32 to index
      %swap3A_361 = arith.index_cast %mul3A_356 : i32 to index
      %swap3A_362 = tpu.vector_load %arg6[%swap3A_359, %swap3A_360, %swap3A_361] {strides = array<i32>} : memref<4x4x2048xf32, #tpu.memory_space<vmem>>, vector<16xf32>,
      tpu.vector_store %arg6[%swap3A_359, %swap3A_360, %swap3A_361], %broadcast_in_dim3A_1 {strides = array<i32>} : memref<4x4x2048xf32, #tpu.memory_space<vmem>>, vector<16xf32>,
      %mul3A_363 = arith.constant 16 : i32
      %mul3A_364 = arith.muli %add3A_339, %mul3A_363 : i32
      %swap3A_365 = arith.constant 0 : i32
      %swap3A_366 = arith.constant 3 : i32
      %swap3A_367 = arith.index_cast %swap3A_365 : i32 to index
      %swap3A_368 = arith.index_cast %swap3A_366 : i32 to index
      %swap3A_369 = arith.index_cast %mul3A_364 : i32 to index
      %swap3A_370 = tpu.vector_load %arg6[%swap3A_367, %swap3A_368, %swap3A_369] {strides = array<i32>} : memref<4x4x2048xf32, #tpu.memory_space<vmem>>, vector<16xf32>,
      tpu.vector_store %arg6[%swap3A_367, %swap3A_368, %swap3A_369], %broadcast_in_dim3A_1 {strides = array<i32>} : memref<4x4x2048xf32, #tpu.memory_space<vmem>>, vector<16xf32>,
      %mul3A_371 = arith.constant 16 : i32
      %mul3A_372 = arith.muli %add3A_339, %mul3A_371 : i32
      %swap3A_373 = arith.constant 1 : i32
      %swap3A_374 = arith.constant 0 : i32
      %swap3A_375 = arith.index_cast %swap3A_373 : i32 to index
      %swap3A_376 = arith.index_cast %swap3A_374 : i32 to index
      %swap3A_377 = arith.index_cast %mul3A_372 : i32 to index
      %swap3A_378 = tpu.vector_load %arg6[%swap3A_375, %swap3A_376, %swap3A_377] {strides = array<i32>} : memref<4x4x2048xf32, #tpu.memory_space<vmem>>, vector<16xf32>,
      tpu.vector_store %arg6[%swap3A_375, %swap3A_376, %swap3A_377], %broadcast_in_dim3A_1 {strides = array<i32>} : memref<4x4x2048xf32, #tpu.memory_space<vmem>>, vector<16xf32>,
      %mul3A_379 = arith.constant 16 : i32
      %mul3A_380 = arith.muli %add3A_339, %mul3A_379 : i32
      %swap3A_381 = arith.constant 1 : i32
      %swap3A_382 = arith.constant 1 : i32
      %swap3A_383 = arith.index_cast %swap3A_381 : i32 to index
      %swap3A_384 = arith.index_cast %swap3A_382 : i32 to index
      %swap3A_385 = arith.index_cast %mul3A_380 : i32 to index
      %swap3A_386 = tpu.vector_load %arg6[%swap3A_383, %swap3A_384, %swap3A_385] {strides = array<i32>} : memref<4x4x2048xf32, #tpu.memory_space<vmem>>, vector<16xf32>,
      tpu.vector_store %arg6[%swap3A_383, %swap3A_384, %swap3A_385], %broadcast_in_dim3A_1 {strides = array<i32>} : memref<4x4x2048xf32, #tpu.memory_space<vmem>>, vector<16xf32>,
      %mul3A_387 = arith.constant 16 : i32
      %mul3A_388 = arith.muli %add3A_339, %mul3A_387 : i32
      %swap3A_389 = arith.constant 1 : i32
      %swap3A_390 = arith.constant 2 : i32
      %swap3A_391 = arith.index_cast %swap3A_389 : i32 to index
      %swap3A_392 = arith.index_cast %swap3A_390 : i32 to index
      %swap3A_393 = arith.index_cast %mul3A_388 : i32 to index
      %swap3A_394 = tpu.vector_load %arg6[%swap3A_391, %swap3A_392, %swap3A_393] {strides = array<i32>} : memref<4x4x2048xf32, #tpu.memory_space<vmem>>, vector<16xf32>,
      tpu.vector_store %arg6[%swap3A_391, %swap3A_392, %swap3A_393], %broadcast_in_dim3A_1 {strides = array<i32>} : memref<4x4x2048xf32, #tpu.memory_space<vmem>>, vector<16xf32>,
      %mul3A_395 = arith.constant 16 : i32
      %mul3A_396 = arith.muli %add3A_339, %mul3A_395 : i32
      %swap3A_397 = arith.constant 1 : i32
      %swap3A_398 = arith.constant 3 : i32
      %swap3A_399 = arith.index_cast %swap3A_397 : i32 to index
      %swap3A_400 = arith.index_cast %swap3A_398 : i32 to index
      %swap3A_401 = arith.index_cast %mul3A_396 : i32 to index
      %swap3A_402 = tpu.vector_load %arg6[%swap3A_399, %swap3A_400, %swap3A_401] {strides = array<i32>} : memref<4x4x2048xf32, #tpu.memory_space<vmem>>, vector<16xf32>,
      tpu.vector_store %arg6[%swap3A_399, %swap3A_400, %swap3A_401], %broadcast_in_dim3A_1 {strides = array<i32>} : memref<4x4x2048xf32, #tpu.memory_space<vmem>>, vector<16xf32>,
      %mul3A_403 = arith.constant 16 : i32
      %mul3A_404 = arith.muli %add3A_339, %mul3A_403 : i32
      %swap3A_405 = arith.constant 2 : i32
      %swap3A_406 = arith.constant 0 : i32
      %swap3A_407 = arith.index_cast %swap3A_405 : i32 to index
      %swap3A_408 = arith.index_cast %swap3A_406 : i32 to index
      %swap3A_409 = arith.index_cast %mul3A_404 : i32 to index
      %swap3A_410 = tpu.vector_load %arg6[%swap3A_407, %swap3A_408, %swap3A_409] {strides = array<i32>} : memref<4x4x2048xf32, #tpu.memory_space<vmem>>, vector<16xf32>,
      tpu.vector_store %arg6[%swap3A_407, %swap3A_408, %swap3A_409], %broadcast_in_dim3A_1 {strides = array<i32>} : memref<4x4x2048xf32, #tpu.memory_space<vmem>>, vector<16xf32>,
      %mul3A_411 = arith.constant 16 : i32
      %mul3A_412 = arith.muli %add3A_339, %mul3A_411 : i32
      %swap3A_413 = arith.constant 2 : i32
      %swap3A_414 = arith.constant 1 : i32
      %swap3A_415 = arith.index_cast %swap3A_413 : i32 to index
      %swap3A_416 = arith.index_cast %swap3A_414 : i32 to index
      %swap3A_417 = arith.index_cast %mul3A_412 : i32 to index
      %swap3A_418 = tpu.vector_load %arg6[%swap3A_415, %swap3A_416, %swap3A_417] {strides = array<i32>} : memref<4x4x2048xf32, #tpu.memory_space<vmem>>, vector<16xf32>,
      tpu.vector_store %arg6[%swap3A_415, %swap3A_416, %swap3A_417], %broadcast_in_dim3A_1 {strides = array<i32>} : memref<4x4x2048xf32, #tpu.memory_space<vmem>>, vector<16xf32>,
      %mul3A_419 = arith.constant 16 : i32
      %mul3A_420 = arith.muli %add3A_339, %mul3A_419 : i32
      %swap3A_421 = arith.constant 2 : i32
      %swap3A_422 = arith.constant 2 : i32
      %swap3A_423 = arith.index_cast %swap3A_421 : i32 to index
      %swap3A_424 = arith.index_cast %swap3A_422 : i32 to index
      %swap3A_425 = arith.index_cast %mul3A_420 : i32 to index
      %swap3A_426 = tpu.vector_load %arg6[%swap3A_423, %swap3A_424, %swap3A_425] {strides = array<i32>} : memref<4x4x2048xf32, #tpu.memory_space<vmem>>, vector<16xf32>,
      tpu.vector_store %arg6[%swap3A_423, %swap3A_424, %swap3A_425], %broadcast_in_dim3A_1 {strides = array<i32>} : memref<4x4x2048xf32, #tpu.memory_space<vmem>>, vector<16xf32>,
      %mul3A_427 = arith.constant 16 : i32
      %mul3A_428 = arith.muli %add3A_339, %mul3A_427 : i32
      %swap3A_429 = arith.constant 2 : i32
      %swap3A_430 = arith.constant 3 : i32
      %swap3A_431 = arith.index_cast %swap3A_429 : i32 to index
      %swap3A_432 = arith.index_cast %swap3A_430 : i32 to index
      %swap3A_433 = arith.index_cast %mul3A_428 : i32 to index
      %swap3A_434 = tpu.vector_load %arg6[%swap3A_431, %swap3A_432, %swap3A_433] {strides = array<i32>} : memref<4x4x2048xf32, #tpu.memory_space<vmem>>, vector<16xf32>,
      tpu.vector_store %arg6[%swap3A_431, %swap3A_432, %swap3A_433], %broadcast_in_dim3A_1 {strides = array<i32>} : memref<4x4x2048xf32, #tpu.memory_space<vmem>>, vector<16xf32>,
      %mul3A_435 = arith.constant 16 : i32
      %mul3A_436 = arith.muli %add3A_339, %mul3A_435 : i32
      %swap3A_437 = arith.constant 3 : i32
      %swap3A_438 = arith.constant 0 : i32
      %swap3A_439 = arith.index_cast %swap3A_437 : i32 to index
      %swap3A_440 = arith.index_cast %swap3A_438 : i32 to index
      %swap3A_441 = arith.index_cast %mul3A_436 : i32 to index
      %swap3A_442 = tpu.vector_load %arg6[%swap3A_439, %swap3A_440, %swap3A_441] {strides = array<i32>} : memref<4x4x2048xf32, #tpu.memory_space<vmem>>, vector<16xf32>,
      tpu.vector_store %arg6[%swap3A_439, %swap3A_440, %swap3A_441], %broadcast_in_dim3A_1 {strides = array<i32>} : memref<4x4x2048xf32, #tpu.memory_space<vmem>>, vector<16xf32>,
      %mul3A_443 = arith.constant 16 : i32
      %mul3A_444 = arith.muli %add3A_339, %mul3A_443 : i32
      %swap3A_445 = arith.constant 3 : i32
      %swap3A_446 = arith.constant 1 : i32
      %swap3A_447 = arith.index_cast %swap3A_445 : i32 to index
      %swap3A_448 = arith.index_cast %swap3A_446 : i32 to index
      %swap3A_449 = arith.index_cast %mul3A_444 : i32 to index
      %swap3A_450 = tpu.vector_load %arg6[%swap3A_447, %swap3A_448, %swap3A_449] {strides = array<i32>} : memref<4x4x2048xf32, #tpu.memory_space<vmem>>, vector<16xf32>,
      tpu.vector_store %arg6[%swap3A_447, %swap3A_448, %swap3A_449], %broadcast_in_dim3A_1 {strides = array<i32>} : memref<4x4x2048xf32, #tpu.memory_space<vmem>>, vector<16xf32>,
      %mul3A_451 = arith.constant 16 : i32
      %mul3A_452 = arith.muli %add3A_339, %mul3A_451 : i32
      %swap3A_453 = arith.constant 3 : i32
      %swap3A_454 = arith.constant 2 : i32
      %swap3A_455 = arith.index_cast %swap3A_453 : i32 to index
      %swap3A_456 = arith.index_cast %swap3A_454 : i32 to index
      %swap3A_457 = arith.index_cast %mul3A_452 : i32 to index
      %swap3A_458 = tpu.vector_load %arg6[%swap3A_455, %swap3A_456, %swap3A_457] {strides = array<i32>} : memref<4x4x2048xf32, #tpu.memory_space<vmem>>, vector<16xf32>,
      tpu.vector_store %arg6[%swap3A_455, %swap3A_456, %swap3A_457], %broadcast_in_dim3A_1 {strides = array<i32>} : memref<4x4x2048xf32, #tpu.memory_space<vmem>>, vector<16xf32>,
      %mul3A_459 = arith.constant 16 : i32
      %mul3A_460 = arith.muli %add3A_339, %mul3A_459 : i32
      %swap3A_461 = arith.constant 3 : i32
      %swap3A_462 = arith.constant 3 : i32
      %swap3A_463 = arith.index_cast %swap3A_461 : i32 to index
      %swap3A_464 = arith.index_cast %swap3A_462 : i32 to index
      %swap3A_465 = arith.index_cast %mul3A_460 : i32 to index
      %swap3A_466 = tpu.vector_load %arg6[%swap3A_463, %swap3A_464, %swap3A_465] {strides = array<i32>} : memref<4x4x2048xf32, #tpu.memory_space<vmem>>, vector<16xf32>,
      tpu.vector_store %arg6[%swap3A_463, %swap3A_464, %swap3A_465], %broadcast_in_dim3A_1 {strides = array<i32>} : memref<4x4x2048xf32, #tpu.memory_space<vmem>>, vector<16xf32>,
    }
    %scan3A_167 = arith.constant 128 : i32
    %add3A_168 = arith.constant 4 : i32
    %add3A_169 = arith.addi %mul3A_11, %add3A_168 : i32
    %sub3A_170 = arith.constant 0 : i32
    %sub3A_171 = arith.subi %add3A_169, %sub3A_170 : i32
    %add3A_172 = vector.broadcast %sub3A_171 : i32 to vector<16xi32>
    %add3A_173 = arith.addi %add3A_172, %shift_right_arithmetic3A_7 : vector<16xi32>
    %sub3A_174 = vector.broadcast %multiple_of3A : i32 to vector<16xi32>
    %sub3A_175 = arith.subi %add3A_173, %sub3A_174 : vector<16xi32>
    %max3A_176 = arith.maxsi %sub3A_175, %broadcast_in_dim3A_5 : vector<16xi32>
    %gather3A_177 = tpu.vector_load_idx %arg4[%max3A_176, %and3A_9] : memref<72x4xi32, #tpu.memory_space<vmem>>[vector<16xi32>, vector<16xi32>], vector<16xi32>,
    %add3A_178 = arith.constant 0 : i32
    %add3A_179 = vector.broadcast %add3A_178 : i32 to vector<16xi32>
    %add3A_180 = arith.addi %gather3A_177, %add3A_179 : vector<16xi32>
    %add3A_181 = vector.broadcast %add3A_169 : i32 to vector<16xi32>
    %add3A_182 = arith.addi %add3A_181, %shift_right_arithmetic3A_7 : vector<16xi32>
    %ge3A_183 = arith.constant 0 : i32
    %ge3A_184 = vector.broadcast %ge3A_183 : i32 to vector<16xi32>
    %ge3A_185 = arith.cmpi sge, %add3A_182, %ge3A_184 : vector<16xi32>
    %select_n3A_186 = arith.select %ge3A_185, %broadcast_in_dim3A_3, %broadcast_in_dim3A_1 : vector<16xi1>, vector<16xf32>
    %sub3A_187 = arith.constant 1 : i32
    %sub3A_188 = arith.subi %add3A_169, %sub3A_187 : i32
    %add3A_189 = vector.broadcast %sub3A_188 : i32 to vector<16xi32>
    %add3A_190 = arith.addi %add3A_189, %shift_right_arithmetic3A_7 : vector<16xi32>
    %sub3A_191 = vector.broadcast %multiple_of3A : i32 to vector<16xi32>
    %sub3A_192 = arith.subi %add3A_190, %sub3A_191 : vector<16xi32>
    %max3A_193 = arith.maxsi %sub3A_192, %broadcast_in_dim3A_5 : vector<16xi32>
    %gather3A_194 = tpu.vector_load_idx %arg4[%max3A_193, %and3A_9] : memref<72x4xi32, #tpu.memory_space<vmem>>[vector<16xi32>, vector<16xi32>], vector<16xi32>,
    %add3A_195 = arith.constant 256 : i32
    %add3A_196 = vector.broadcast %add3A_195 : i32 to vector<16xi32>
    %add3A_197 = arith.addi %gather3A_194, %add3A_196 : vector<16xi32>
    %add3A_198 = vector.broadcast %add3A_169 : i32 to vector<16xi32>
    %add3A_199 = arith.addi %add3A_198, %shift_right_arithmetic3A_7 : vector<16xi32>
    %ge3A_200 = arith.constant 1 : i32
    %ge3A_201 = vector.broadcast %ge3A_200 : i32 to vector<16xi32>
    %ge3A_202 = arith.cmpi sge, %add3A_199, %ge3A_201 : vector<16xi32>
    %select_n3A_203 = arith.select %ge3A_202, %broadcast_in_dim3A_3, %broadcast_in_dim3A_1 : vector<16xi1>, vector<16xf32>
    %sub3A_204 = arith.constant 2 : i32
    %sub3A_205 = arith.subi %add3A_169, %sub3A_204 : i32
    %add3A_206 = vector.broadcast %sub3A_205 : i32 to vector<16xi32>
    %add3A_207 = arith.addi %add3A_206, %shift_right_arithmetic3A_7 : vector<16xi32>
    %sub3A_208 = vector.broadcast %multiple_of3A : i32 to vector<16xi32>
    %sub3A_209 = arith.subi %add3A_207, %sub3A_208 : vector<16xi32>
    %max3A_210 = arith.maxsi %sub3A_209, %broadcast_in_dim3A_5 : vector<16xi32>
    %gather3A_211 = tpu.vector_load_idx %arg4[%max3A_210, %and3A_9] : memref<72x4xi32, #tpu.memory_space<vmem>>[vector<16xi32>, vector<16xi32>], vector<16xi32>,
    %add3A_212 = arith.constant 512 : i32
    %add3A_213 = vector.broadcast %add3A_212 : i32 to vector<16xi32>
    %add3A_214 = arith.addi %gather3A_211, %add3A_213 : vector<16xi32>
    %add3A_215 = vector.broadcast %add3A_169 : i32 to vector<16xi32>
    %add3A_216 = arith.addi %add3A_215, %shift_right_arithmetic3A_7 : vector<16xi32>
    %ge3A_217 = arith.constant 2 : i32
    %ge3A_218 = vector.broadcast %ge3A_217 : i32 to vector<16xi32>
    %ge3A_219 = arith.cmpi sge, %add3A_216, %ge3A_218 : vector<16xi32>
    %select_n3A_220 = arith.select %ge3A_219, %broadcast_in_dim3A_3, %broadcast_in_dim3A_1 : vector<16xi1>, vector<16xf32>
    %sub3A_221 = arith.constant 3 : i32
    %sub3A_222 = arith.subi %add3A_169, %sub3A_221 : i32
    %add3A_223 = vector.broadcast %sub3A_222 : i32 to vector<16xi32>
    %add3A_224 = arith.addi %add3A_223, %shift_right_arithmetic3A_7 : vector<16xi32>
    %sub3A_225 = vector.broadcast %multiple_of3A : i32 to vector<16xi32>
    %sub3A_226 = arith.subi %add3A_224, %sub3A_225 : vector<16xi32>
    %max3A_227 = arith.maxsi %sub3A_226, %broadcast_in_dim3A_5 : vector<16xi32>
    %gather3A_228 = tpu.vector_load_idx %arg4[%max3A_227, %and3A_9] : memref<72x4xi32, #tpu.memory_space<vmem>>[vector<16xi32>, vector<16xi32>], vector<16xi32>,
    %add3A_229 = arith.constant 768 : i32
    %add3A_230 = vector.broadcast %add3A_229 : i32 to vector<16xi32>
    %add3A_231 = arith.addi %gather3A_228, %add3A_230 : vector<16xi32>
    %add3A_232 = vector.broadcast %add3A_169 : i32 to vector<16xi32>
    %add3A_233 = arith.addi %add3A_232, %shift_right_arithmetic3A_7 : vector<16xi32>
    %ge3A_234 = arith.constant 3 : i32
    %ge3A_235 = vector.broadcast %ge3A_234 : i32 to vector<16xi32>
    %ge3A_236 = arith.cmpi sge, %add3A_233, %ge3A_235 : vector<16xi32>
    %select_n3A_237 = arith.select %ge3A_236, %broadcast_in_dim3A_3, %broadcast_in_dim3A_1 : vector<16xi1>, vector<16xf32>
    %sub3A_238 = arith.constant 4 : i32
    %sub3A_239 = arith.subi %add3A_169, %sub3A_238 : i32
    %add3A_240 = vector.broadcast %sub3A_239 : i32 to vector<16xi32>
    %add3A_241 = arith.addi %add3A_240, %shift_right_arithmetic3A_7 : vector<16xi32>
    %sub3A_242 = vector.broadcast %multiple_of3A : i32 to vector<16xi32>
    %sub3A_243 = arith.subi %add3A_241, %sub3A_242 : vector<16xi32>
    %max3A_244 = arith.maxsi %sub3A_243, %broadcast_in_dim3A_5 : vector<16xi32>
    %gather3A_245 = tpu.vector_load_idx %arg4[%max3A_244, %and3A_9] : memref<72x4xi32, #tpu.memory_space<vmem>>[vector<16xi32>, vector<16xi32>], vector<16xi32>,
    %add3A_246 = arith.constant 1024 : i32
    %add3A_247 = vector.broadcast %add3A_246 : i32 to vector<16xi32>
    %add3A_248 = arith.addi %gather3A_245, %add3A_247 : vector<16xi32>
    %add3A_249 = vector.broadcast %add3A_169 : i32 to vector<16xi32>
    %add3A_250 = arith.addi %add3A_249, %shift_right_arithmetic3A_7 : vector<16xi32>
    %ge3A_251 = arith.constant 4 : i32
    %ge3A_252 = vector.broadcast %ge3A_251 : i32 to vector<16xi32>
    %ge3A_253 = arith.cmpi sge, %add3A_250, %ge3A_252 : vector<16xi32>
    %select_n3A_254 = arith.select %ge3A_253, %broadcast_in_dim3A_3, %broadcast_in_dim3A_1 : vector<16xi1>, vector<16xf32>
    %sub3A_255 = arith.constant 5 : i32
    %sub3A_256 = arith.subi %add3A_169, %sub3A_255 : i32
    %add3A_257 = vector.broadcast %sub3A_256 : i32 to vector<16xi32>
    %add3A_258 = arith.addi %add3A_257, %shift_right_arithmetic3A_7 : vector<16xi32>
    %sub3A_259 = vector.broadcast %multiple_of3A : i32 to vector<16xi32>
    %sub3A_260 = arith.subi %add3A_258, %sub3A_259 : vector<16xi32>
    %max3A_261 = arith.maxsi %sub3A_260, %broadcast_in_dim3A_5 : vector<16xi32>
    %gather3A_262 = tpu.vector_load_idx %arg4[%max3A_261, %and3A_9] : memref<72x4xi32, #tpu.memory_space<vmem>>[vector<16xi32>, vector<16xi32>], vector<16xi32>,
    %add3A_263 = arith.constant 1280 : i32
    %add3A_264 = vector.broadcast %add3A_263 : i32 to vector<16xi32>
    %add3A_265 = arith.addi %gather3A_262, %add3A_264 : vector<16xi32>
    %add3A_266 = vector.broadcast %add3A_169 : i32 to vector<16xi32>
    %add3A_267 = arith.addi %add3A_266, %shift_right_arithmetic3A_7 : vector<16xi32>
    %ge3A_268 = arith.constant 5 : i32
    %ge3A_269 = vector.broadcast %ge3A_268 : i32 to vector<16xi32>
    %ge3A_270 = arith.cmpi sge, %add3A_267, %ge3A_269 : vector<16xi32>
    %select_n3A_271 = arith.select %ge3A_270, %broadcast_in_dim3A_3, %broadcast_in_dim3A_1 : vector<16xi1>, vector<16xf32>
    %sub3A_272 = arith.constant 6 : i32
    %sub3A_273 = arith.subi %add3A_169, %sub3A_272 : i32
    %add3A_274 = vector.broadcast %sub3A_273 : i32 to vector<16xi32>
    %add3A_275 = arith.addi %add3A_274, %shift_right_arithmetic3A_7 : vector<16xi32>
    %sub3A_276 = vector.broadcast %multiple_of3A : i32 to vector<16xi32>
    %sub3A_277 = arith.subi %add3A_275, %sub3A_276 : vector<16xi32>
    %max3A_278 = arith.maxsi %sub3A_277, %broadcast_in_dim3A_5 : vector<16xi32>
    %gather3A_279 = tpu.vector_load_idx %arg4[%max3A_278, %and3A_9] : memref<72x4xi32, #tpu.memory_space<vmem>>[vector<16xi32>, vector<16xi32>], vector<16xi32>,
    %add3A_280 = arith.constant 1536 : i32
    %add3A_281 = vector.broadcast %add3A_280 : i32 to vector<16xi32>
    %add3A_282 = arith.addi %gather3A_279, %add3A_281 : vector<16xi32>
    %add3A_283 = vector.broadcast %add3A_169 : i32 to vector<16xi32>
    %add3A_284 = arith.addi %add3A_283, %shift_right_arithmetic3A_7 : vector<16xi32>
    %ge3A_285 = arith.constant 6 : i32
    %ge3A_286 = vector.broadcast %ge3A_285 : i32 to vector<16xi32>
    %ge3A_287 = arith.cmpi sge, %add3A_284, %ge3A_286 : vector<16xi32>
    %select_n3A_288 = arith.select %ge3A_287, %broadcast_in_dim3A_3, %broadcast_in_dim3A_1 : vector<16xi1>, vector<16xf32>
    %sub3A_289 = arith.constant 7 : i32
    %sub3A_290 = arith.subi %add3A_169, %sub3A_289 : i32
    %add3A_291 = vector.broadcast %sub3A_290 : i32 to vector<16xi32>
    %add3A_292 = arith.addi %add3A_291, %shift_right_arithmetic3A_7 : vector<16xi32>
    %sub3A_293 = vector.broadcast %multiple_of3A : i32 to vector<16xi32>
    %sub3A_294 = arith.subi %add3A_292, %sub3A_293 : vector<16xi32>
    %max3A_295 = arith.maxsi %sub3A_294, %broadcast_in_dim3A_5 : vector<16xi32>
    %gather3A_296 = tpu.vector_load_idx %arg4[%max3A_295, %and3A_9] : memref<72x4xi32, #tpu.memory_space<vmem>>[vector<16xi32>, vector<16xi32>], vector<16xi32>,
    %add3A_297 = arith.constant 1792 : i32
    %add3A_298 = vector.broadcast %add3A_297 : i32 to vector<16xi32>
    %add3A_299 = arith.addi %gather3A_296, %add3A_298 : vector<16xi32>
    %add3A_300 = vector.broadcast %add3A_169 : i32 to vector<16xi32>
    %add3A_301 = arith.addi %add3A_300, %shift_right_arithmetic3A_7 : vector<16xi32>
    %ge3A_302 = arith.constant 7 : i32
    %ge3A_303 = vector.broadcast %ge3A_302 : i32 to vector<16xi32>
    %ge3A_304 = arith.cmpi sge, %add3A_301, %ge3A_303 : vector<16xi32>
    %select_n3A_305 = arith.select %ge3A_304, %broadcast_in_dim3A_3, %broadcast_in_dim3A_1 : vector<16xi1>, vector<16xf32>
    tpu.vector_store_idx %arg6[%shift_right_arithmetic3A_7, %and3A_9, %add3A_180], %select_n3A_186 : memref<4x4x2048xf32, #tpu.memory_space<vmem>>[vector<16xi32>, vector<16xi32>, vector<16xi32>], vector<16xf32>,
    tpu.vector_store_idx %arg6[%shift_right_arithmetic3A_7, %and3A_9, %add3A_197], %select_n3A_203 : memref<4x4x2048xf32, #tpu.memory_space<vmem>>[vector<16xi32>, vector<16xi32>, vector<16xi32>], vector<16xf32>,
    tpu.vector_store_idx %arg6[%shift_right_arithmetic3A_7, %and3A_9, %add3A_214], %select_n3A_220 : memref<4x4x2048xf32, #tpu.memory_space<vmem>>[vector<16xi32>, vector<16xi32>, vector<16xi32>], vector<16xf32>,
    tpu.vector_store_idx %arg6[%shift_right_arithmetic3A_7, %and3A_9, %add3A_231], %select_n3A_237 : memref<4x4x2048xf32, #tpu.memory_space<vmem>>[vector<16xi32>, vector<16xi32>, vector<16xi32>], vector<16xf32>,
    tpu.vector_store_idx %arg6[%shift_right_arithmetic3A_7, %and3A_9, %add3A_248], %select_n3A_254 : memref<4x4x2048xf32, #tpu.memory_space<vmem>>[vector<16xi32>, vector<16xi32>, vector<16xi32>], vector<16xf32>,
    tpu.vector_store_idx %arg6[%shift_right_arithmetic3A_7, %and3A_9, %add3A_265], %select_n3A_271 : memref<4x4x2048xf32, #tpu.memory_space<vmem>>[vector<16xi32>, vector<16xi32>, vector<16xi32>], vector<16xf32>,
    tpu.vector_store_idx %arg6[%shift_right_arithmetic3A_7, %and3A_9, %add3A_282], %select_n3A_288 : memref<4x4x2048xf32, #tpu.memory_space<vmem>>[vector<16xi32>, vector<16xi32>, vector<16xi32>], vector<16xf32>,
    tpu.vector_store_idx %arg6[%shift_right_arithmetic3A_7, %and3A_9, %add3A_299], %select_n3A_305 : memref<4x4x2048xf32, #tpu.memory_space<vmem>>[vector<16xi32>, vector<16xi32>, vector<16xi32>], vector<16xf32>,
    %add3A_306 = arith.constant 4 : i32
    %add3A_307 = arith.addi %mul3A_11, %add3A_306 : i32
    %dma_start3A_308 = arith.constant 0 : i32
    %dma_start3A_309 = arith.constant 0 : i32
    %dma_start3A_310 = tpu.memref_slice %arg3[%add3A_307, %dma_start3A_308, %dma_start3A_309] : memref<2048x4x2048xf32, #tpu.memory_space<hbm>> -> memref<4x4x2048xf32, #tpu.memory_space<hbm>>
    %dma_start3A_311 = arith.constant 0 : i32
    %dma_start3A_312 = arith.constant 0 : i32
    %dma_start3A_313 = tpu.memref_slice %arg3[%add3A_307, %dma_start3A_311, %dma_start3A_312] : memref<2048x4x2048xf32, #tpu.memory_space<hbm>> -> memref<4x4x2048xf32, #tpu.memory_space<hbm>>
    tpu.enqueue_dma source(%arg6 : memref<4x4x2048xf32, #tpu.memory_space<vmem>>) target(%dma_start3A_313 : memref<4x4x2048xf32, #tpu.memory_space<hbm>>) target_semaphore(%arg8 : memref<!tpu.dma_semaphore, #tpu.memory_space<semaphore_mem>>)
    %scan3A_314 = arith.constant 0 : i32
    %scan3A_315 = arith.constant 7 : i32
    %scan3A_316 = arith.addi %scan3A_314, %scan3A_315 : i32
    %scan3A_317 = arith.constant 1 : i32
    scf.for %scan3A_335 = %scan3A_314 to %scan3A_316 step %scan3A_317  : i32 {
      %mul3A_336 = arith.constant 1 : i32
      %mul3A_337 = arith.muli %scan3A_335, %mul3A_336 : i32
      %add3A_338 = arith.constant 1 : i32
      %add3A_339 = arith.addi %add3A_338, %mul3A_337 : i32
      %mul3A_340 = arith.constant 2 : i32
      %mul3A_341 = arith.muli %add3A_339, %mul3A_340 : i32
      %add3A_342 = arith.constant 0 : i32
      %add3A_343 = arith.addi %mul3A_341, %add3A_342 : i32
      %mul3A_344 = arith.constant 4 : i32
      %mul3A_345 = arith.muli %add3A_343, %mul3A_344 : i32
      %add3A_346 = arith.addi %mul3A_11, %mul3A_345 : i32
      %sub3A_347 = arith.constant 8 : i32
      %sub3A_348 = arith.subi %add3A_346, %sub3A_347 : i32
      %dma_wait3A_349 = arith.constant 0 : i32
      %dma_wait3A_350 = arith.constant 0 : i32
      %dma_wait3A_351 = tpu.memref_slice %arg3[%sub3A_348, %dma_wait3A_349, %dma_wait3A_350] : memref<2048x4x2048xf32, #tpu.memory_space<hbm>> -> memref<4x4x2048xf32, #tpu.memory_space<hbm>>
      %dma_wait3A_352 = arith.constant 0 : i32
      %dma_wait3A_353 = arith.constant 0 : i32
      %dma_wait3A_354 = tpu.memref_slice %arg3[%sub3A_348, %dma_wait3A_352, %dma_wait3A_353] : memref<2048x4x2048xf32, #tpu.memory_space<hbm>> -> memref<4x4x2048xf32, #tpu.memory_space<hbm>>
      tpu.wait_dma2 semaphore(%arg7 : memref<!tpu.dma_semaphore, #tpu.memory_space<semaphore_mem>>) src(%arg5 : memref<4x4x2048xf32, #tpu.memory_space<vmem>>) dst(%dma_wait3A_354 : memref<4x4x2048xf32, #tpu.memory_space<hbm>>)
      %sub3A_355 = arith.constant 8 : i32
      %sub3A_356 = arith.subi %add3A_346, %sub3A_355 : i32
      %sub3A_357 = arith.constant 0 : i32
      %sub3A_358 = arith.subi %sub3A_356, %sub3A_357 : i32
      %add3A_359 = vector.broadcast %sub3A_358 : i32 to vector<16xi32>
      %add3A_360 = arith.addi %add3A_359, %shift_right_arithmetic3A_7 : vector<16xi32>
      %sub3A_361 = vector.broadcast %multiple_of3A : i32 to vector<16xi32>
      %sub3A_362 = arith.subi %add3A_360, %sub3A_361 : vector<16xi32>
      %max3A_363 = arith.maxsi %sub3A_362, %broadcast_in_dim3A_5 : vector<16xi32>
      %gather3A_364 = tpu.vector_load_idx %arg4[%max3A_363, %and3A_9] : memref<72x4xi32, #tpu.memory_space<vmem>>[vector<16xi32>, vector<16xi32>], vector<16xi32>,
      %add3A_365 = arith.constant 0 : i32
      %add3A_366 = vector.broadcast %add3A_365 : i32 to vector<16xi32>
      %add3A_367 = arith.addi %gather3A_364, %add3A_366 : vector<16xi32>
      %add3A_368 = vector.broadcast %sub3A_356 : i32 to vector<16xi32>
      %add3A_369 = arith.addi %add3A_368, %shift_right_arithmetic3A_7 : vector<16xi32>
      %ge3A_370 = arith.constant 0 : i32
      %ge3A_371 = vector.broadcast %ge3A_370 : i32 to vector<16xi32>
      %ge3A_372 = arith.cmpi sge, %add3A_369, %ge3A_371 : vector<16xi32>
      %select_n3A_373 = arith.select %ge3A_372, %broadcast_in_dim3A_3, %broadcast_in_dim3A_1 : vector<16xi1>, vector<16xf32>
      %sub3A_374 = arith.constant 1 : i32
      %sub3A_375 = arith.subi %sub3A_356, %sub3A_374 : i32
      %add3A_376 = vector.broadcast %sub3A_375 : i32 to vector<16xi32>
      %add3A_377 = arith.addi %add3A_376, %shift_right_arithmetic3A_7 : vector<16xi32>
      %sub3A_378 = vector.broadcast %multiple_of3A : i32 to vector<16xi32>
      %sub3A_379 = arith.subi %add3A_377, %sub3A_378 : vector<16xi32>
      %max3A_380 = arith.maxsi %sub3A_379, %broadcast_in_dim3A_5 : vector<16xi32>
      %gather3A_381 = tpu.vector_load_idx %arg4[%max3A_380, %and3A_9] : memref<72x4xi32, #tpu.memory_space<vmem>>[vector<16xi32>, vector<16xi32>], vector<16xi32>,
      %add3A_382 = arith.constant 256 : i32
      %add3A_383 = vector.broadcast %add3A_382 : i32 to vector<16xi32>
      %add3A_384 = arith.addi %gather3A_381, %add3A_383 : vector<16xi32>
      %add3A_385 = vector.broadcast %sub3A_356 : i32 to vector<16xi32>
      %add3A_386 = arith.addi %add3A_385, %shift_right_arithmetic3A_7 : vector<16xi32>
      %ge3A_387 = arith.constant 1 : i32
      %ge3A_388 = vector.broadcast %ge3A_387 : i32 to vector<16xi32>
      %ge3A_389 = arith.cmpi sge, %add3A_386, %ge3A_388 : vector<16xi32>
      %select_n3A_390 = arith.select %ge3A_389, %broadcast_in_dim3A_3, %broadcast_in_dim3A_1 : vector<16xi1>, vector<16xf32>
      %sub3A_391 = arith.constant 2 : i32
      %sub3A_392 = arith.subi %sub3A_356, %sub3A_391 : i32
      %add3A_393 = vector.broadcast %sub3A_392 : i32 to vector<16xi32>
      %add3A_394 = arith.addi %add3A_393, %shift_right_arithmetic3A_7 : vector<16xi32>
      %sub3A_395 = vector.broadcast %multiple_of3A : i32 to vector<16xi32>
      %sub3A_396 = arith.subi %add3A_394, %sub3A_395 : vector<16xi32>
      %max3A_397 = arith.maxsi %sub3A_396, %broadcast_in_dim3A_5 : vector<16xi32>
      %gather3A_398 = tpu.vector_load_idx %arg4[%max3A_397, %and3A_9] : memref<72x4xi32, #tpu.memory_space<vmem>>[vector<16xi32>, vector<16xi32>], vector<16xi32>,
      %add3A_399 = arith.constant 512 : i32
      %add3A_400 = vector.broadcast %add3A_399 : i32 to vector<16xi32>
      %add3A_401 = arith.addi %gather3A_398, %add3A_400 : vector<16xi32>
      %add3A_402 = vector.broadcast %sub3A_356 : i32 to vector<16xi32>
      %add3A_403 = arith.addi %add3A_402, %shift_right_arithmetic3A_7 : vector<16xi32>
      %ge3A_404 = arith.constant 2 : i32
      %ge3A_405 = vector.broadcast %ge3A_404 : i32 to vector<16xi32>
      %ge3A_406 = arith.cmpi sge, %add3A_403, %ge3A_405 : vector<16xi32>
      %select_n3A_407 = arith.select %ge3A_406, %broadcast_in_dim3A_3, %broadcast_in_dim3A_1 : vector<16xi1>, vector<16xf32>
      %sub3A_408 = arith.constant 3 : i32
      %sub3A_409 = arith.subi %sub3A_356, %sub3A_408 : i32
      %add3A_410 = vector.broadcast %sub3A_409 : i32 to vector<16xi32>
      %add3A_411 = arith.addi %add3A_410, %shift_right_arithmetic3A_7 : vector<16xi32>
      %sub3A_412 = vector.broadcast %multiple_of3A : i32 to vector<16xi32>
      %sub3A_413 = arith.subi %add3A_411, %sub3A_412 : vector<16xi32>
      %max3A_414 = arith.maxsi %sub3A_413, %broadcast_in_dim3A_5 : vector<16xi32>
      %gather3A_415 = tpu.vector_load_idx %arg4[%max3A_414, %and3A_9] : memref<72x4xi32, #tpu.memory_space<vmem>>[vector<16xi32>, vector<16xi32>], vector<16xi32>,
      %add3A_416 = arith.constant 768 : i32
      %add3A_417 = vector.broadcast %add3A_416 : i32 to vector<16xi32>
      %add3A_418 = arith.addi %gather3A_415, %add3A_417 : vector<16xi32>
      %add3A_419 = vector.broadcast %sub3A_356 : i32 to vector<16xi32>
      %add3A_420 = arith.addi %add3A_419, %shift_right_arithmetic3A_7 : vector<16xi32>
      %ge3A_421 = arith.constant 3 : i32
      %ge3A_422 = vector.broadcast %ge3A_421 : i32 to vector<16xi32>
      %ge3A_423 = arith.cmpi sge, %add3A_420, %ge3A_422 : vector<16xi32>
      %select_n3A_424 = arith.select %ge3A_423, %broadcast_in_dim3A_3, %broadcast_in_dim3A_1 : vector<16xi1>, vector<16xf32>
      %sub3A_425 = arith.constant 4 : i32
      %sub3A_426 = arith.subi %sub3A_356, %sub3A_425 : i32
      %add3A_427 = vector.broadcast %sub3A_426 : i32 to vector<16xi32>
      %add3A_428 = arith.addi %add3A_427, %shift_right_arithmetic3A_7 : vector<16xi32>
      %sub3A_429 = vector.broadcast %multiple_of3A : i32 to vector<16xi32>
      %sub3A_430 = arith.subi %add3A_428, %sub3A_429 : vector<16xi32>
      %max3A_431 = arith.maxsi %sub3A_430, %broadcast_in_dim3A_5 : vector<16xi32>
      %gather3A_432 = tpu.vector_load_idx %arg4[%max3A_431, %and3A_9] : memref<72x4xi32, #tpu.memory_space<vmem>>[vector<16xi32>, vector<16xi32>], vector<16xi32>,
      %add3A_433 = arith.constant 1024 : i32
      %add3A_434 = vector.broadcast %add3A_433 : i32 to vector<16xi32>
      %add3A_435 = arith.addi %gather3A_432, %add3A_434 : vector<16xi32>
      %add3A_436 = vector.broadcast %sub3A_356 : i32 to vector<16xi32>
      %add3A_437 = arith.addi %add3A_436, %shift_right_arithmetic3A_7 : vector<16xi32>
      %ge3A_438 = arith.constant 4 : i32
      %ge3A_439 = vector.broadcast %ge3A_438 : i32 to vector<16xi32>
      %ge3A_440 = arith.cmpi sge, %add3A_437, %ge3A_439 : vector<16xi32>
      %select_n3A_441 = arith.select %ge3A_440, %broadcast_in_dim3A_3, %broadcast_in_dim3A_1 : vector<16xi1>, vector<16xf32>
      %sub3A_442 = arith.constant 5 : i32
      %sub3A_443 = arith.subi %sub3A_356, %sub3A_442 : i32
      %add3A_444 = vector.broadcast %sub3A_443 : i32 to vector<16xi32>
      %add3A_445 = arith.addi %add3A_444, %shift_right_arithmetic3A_7 : vector<16xi32>
      %sub3A_446 = vector.broadcast %multiple_of3A : i32 to vector<16xi32>
      %sub3A_447 = arith.subi %add3A_445, %sub3A_446 : vector<16xi32>
      %max3A_448 = arith.maxsi %sub3A_447, %broadcast_in_dim3A_5 : vector<16xi32>
      %gather3A_449 = tpu.vector_load_idx %arg4[%max3A_448, %and3A_9] : memref<72x4xi32, #tpu.memory_space<vmem>>[vector<16xi32>, vector<16xi32>], vector<16xi32>,
      %add3A_450 = arith.constant 1280 : i32
      %add3A_451 = vector.broadcast %add3A_450 : i32 to vector<16xi32>
      %add3A_452 = arith.addi %gather3A_449, %add3A_451 : vector<16xi32>
      %add3A_453 = vector.broadcast %sub3A_356 : i32 to vector<16xi32>
      %add3A_454 = arith.addi %add3A_453, %shift_right_arithmetic3A_7 : vector<16xi32>
      %ge3A_455 = arith.constant 5 : i32
      %ge3A_456 = vector.broadcast %ge3A_455 : i32 to vector<16xi32>
      %ge3A_457 = arith.cmpi sge, %add3A_454, %ge3A_456 : vector<16xi32>
      %select_n3A_458 = arith.select %ge3A_457, %broadcast_in_dim3A_3, %broadcast_in_dim3A_1 : vector<16xi1>, vector<16xf32>
      %sub3A_459 = arith.constant 6 : i32
      %sub3A_460 = arith.subi %sub3A_356, %sub3A_459 : i32
      %add3A_461 = vector.broadcast %sub3A_460 : i32 to vector<16xi32>
      %add3A_462 = arith.addi %add3A_461, %shift_right_arithmetic3A_7 : vector<16xi32>
      %sub3A_463 = vector.broadcast %multiple_of3A : i32 to vector<16xi32>
      %sub3A_464 = arith.subi %add3A_462, %sub3A_463 : vector<16xi32>
      %max3A_465 = arith.maxsi %sub3A_464, %broadcast_in_dim3A_5 : vector<16xi32>
      %gather3A_466 = tpu.vector_load_idx %arg4[%max3A_465, %and3A_9] : memref<72x4xi32, #tpu.memory_space<vmem>>[vector<16xi32>, vector<16xi32>], vector<16xi32>,
      %add3A_467 = arith.constant 1536 : i32
      %add3A_468 = vector.broadcast %add3A_467 : i32 to vector<16xi32>
      %add3A_469 = arith.addi %gather3A_466, %add3A_468 : vector<16xi32>
      %add3A_470 = vector.broadcast %sub3A_356 : i32 to vector<16xi32>
      %add3A_471 = arith.addi %add3A_470, %shift_right_arithmetic3A_7 : vector<16xi32>
      %ge3A_472 = arith.constant 6 : i32
      %ge3A_473 = vector.broadcast %ge3A_472 : i32 to vector<16xi32>
      %ge3A_474 = arith.cmpi sge, %add3A_471, %ge3A_473 : vector<16xi32>
      %select_n3A_475 = arith.select %ge3A_474, %broadcast_in_dim3A_3, %broadcast_in_dim3A_1 : vector<16xi1>, vector<16xf32>
      %sub3A_476 = arith.constant 7 : i32
      %sub3A_477 = arith.subi %sub3A_356, %sub3A_476 : i32
      %add3A_478 = vector.broadcast %sub3A_477 : i32 to vector<16xi32>
      %add3A_479 = arith.addi %add3A_478, %shift_right_arithmetic3A_7 : vector<16xi32>
      %sub3A_480 = vector.broadcast %multiple_of3A : i32 to vector<16xi32>
      %sub3A_481 = arith.subi %add3A_479, %sub3A_480 : vector<16xi32>
      %max3A_482 = arith.maxsi %sub3A_481, %broadcast_in_dim3A_5 : vector<16xi32>
      %gather3A_483 = tpu.vector_load_idx %arg4[%max3A_482, %and3A_9] : memref<72x4xi32, #tpu.memory_space<vmem>>[vector<16xi32>, vector<16xi32>], vector<16xi32>,
      %add3A_484 = arith.constant 1792 : i32
      %add3A_485 = vector.broadcast %add3A_484 : i32 to vector<16xi32>
      %add3A_486 = arith.addi %gather3A_483, %add3A_485 : vector<16xi32>
      %add3A_487 = vector.broadcast %sub3A_356 : i32 to vector<16xi32>
      %add3A_488 = arith.addi %add3A_487, %shift_right_arithmetic3A_7 : vector<16xi32>
      %ge3A_489 = arith.constant 7 : i32
      %ge3A_490 = vector.broadcast %ge3A_489 : i32 to vector<16xi32>
      %ge3A_491 = arith.cmpi sge, %add3A_488, %ge3A_490 : vector<16xi32>
      %select_n3A_492 = arith.select %ge3A_491, %broadcast_in_dim3A_3, %broadcast_in_dim3A_1 : vector<16xi1>, vector<16xf32>
      tpu.vector_store_idx %arg5[%shift_right_arithmetic3A_7, %and3A_9, %add3A_367], %broadcast_in_dim3A_1 : memref<4x4x2048xf32, #tpu.memory_space<vmem>>[vector<16xi32>, vector<16xi32>, vector<16xi32>], vector<16xf32>,
      tpu.vector_store_idx %arg5[%shift_right_arithmetic3A_7, %and3A_9, %add3A_384], %broadcast_in_dim3A_1 : memref<4x4x2048xf32, #tpu.memory_space<vmem>>[vector<16xi32>, vector<16xi32>, vector<16xi32>], vector<16xf32>,
      tpu.vector_store_idx %arg5[%shift_right_arithmetic3A_7, %and3A_9, %add3A_401], %broadcast_in_dim3A_1 : memref<4x4x2048xf32, #tpu.memory_space<vmem>>[vector<16xi32>, vector<16xi32>, vector<16xi32>], vector<16xf32>,
      tpu.vector_store_idx %arg5[%shift_right_arithmetic3A_7, %and3A_9, %add3A_418], %broadcast_in_dim3A_1 : memref<4x4x2048xf32, #tpu.memory_space<vmem>>[vector<16xi32>, vector<16xi32>, vector<16xi32>], vector<16xf32>,
      tpu.vector_store_idx %arg5[%shift_right_arithmetic3A_7, %and3A_9, %add3A_435], %broadcast_in_dim3A_1 : memref<4x4x2048xf32, #tpu.memory_space<vmem>>[vector<16xi32>, vector<16xi32>, vector<16xi32>], vector<16xf32>,
      tpu.vector_store_idx %arg5[%shift_right_arithmetic3A_7, %and3A_9, %add3A_452], %broadcast_in_dim3A_1 : memref<4x4x2048xf32, #tpu.memory_space<vmem>>[vector<16xi32>, vector<16xi32>, vector<16xi32>], vector<16xf32>,
      tpu.vector_store_idx %arg5[%shift_right_arithmetic3A_7, %and3A_9, %add3A_469], %broadcast_in_dim3A_1 : memref<4x4x2048xf32, #tpu.memory_space<vmem>>[vector<16xi32>, vector<16xi32>, vector<16xi32>], vector<16xf32>,
      tpu.vector_store_idx %arg5[%shift_right_arithmetic3A_7, %and3A_9, %add3A_486], %broadcast_in_dim3A_1 : memref<4x4x2048xf32, #tpu.memory_space<vmem>>[vector<16xi32>, vector<16xi32>, vector<16xi32>], vector<16xf32>,
      %sub3A_493 = arith.constant 0 : i32
      %sub3A_494 = arith.subi %add3A_346, %sub3A_493 : i32
      %add3A_495 = vector.broadcast %sub3A_494 : i32 to vector<16xi32>
      %add3A_496 = arith.addi %add3A_495, %shift_right_arithmetic3A_7 : vector<16xi32>
      %sub3A_497 = vector.broadcast %multiple_of3A : i32 to vector<16xi32>
      %sub3A_498 = arith.subi %add3A_496, %sub3A_497 : vector<16xi32>
      %max3A_499 = arith.maxsi %sub3A_498, %broadcast_in_dim3A_5 : vector<16xi32>
      %gather3A_500 = tpu.vector_load_idx %arg4[%max3A_499, %and3A_9] : memref<72x4xi32, #tpu.memory_space<vmem>>[vector<16xi32>, vector<16xi32>], vector<16xi32>,
      %add3A_501 = arith.constant 0 : i32
      %add3A_502 = vector.broadcast %add3A_501 : i32 to vector<16xi32>
      %add3A_503 = arith.addi %gather3A_500, %add3A_502 : vector<16xi32>
      %add3A_504 = vector.broadcast %add3A_346 : i32 to vector<16xi32>
      %add3A_505 = arith.addi %add3A_504, %shift_right_arithmetic3A_7 : vector<16xi32>
      %ge3A_506 = arith.constant 0 : i32
      %ge3A_507 = vector.broadcast %ge3A_506 : i32 to vector<16xi32>
      %ge3A_508 = arith.cmpi sge, %add3A_505, %ge3A_507 : vector<16xi32>
      %select_n3A_509 = arith.select %ge3A_508, %broadcast_in_dim3A_3, %broadcast_in_dim3A_1 : vector<16xi1>, vector<16xf32>
      %sub3A_510 = arith.constant 1 : i32
      %sub3A_511 = arith.subi %add3A_346, %sub3A_510 : i32
      %add3A_512 = vector.broadcast %sub3A_511 : i32 to vector<16xi32>
      %add3A_513 = arith.addi %add3A_512, %shift_right_arithmetic3A_7 : vector<16xi32>
      %sub3A_514 = vector.broadcast %multiple_of3A : i32 to vector<16xi32>
      %sub3A_515 = arith.subi %add3A_513, %sub3A_514 : vector<16xi32>
      %max3A_516 = arith.maxsi %sub3A_515, %broadcast_in_dim3A_5 : vector<16xi32>
      %gather3A_517 = tpu.vector_load_idx %arg4[%max3A_516, %and3A_9] : memref<72x4xi32, #tpu.memory_space<vmem>>[vector<16xi32>, vector<16xi32>], vector<16xi32>,
      %add3A_518 = arith.constant 256 : i32
      %add3A_519 = vector.broadcast %add3A_518 : i32 to vector<16xi32>
      %add3A_520 = arith.addi %gather3A_517, %add3A_519 : vector<16xi32>
      %add3A_521 = vector.broadcast %add3A_346 : i32 to vector<16xi32>
      %add3A_522 = arith.addi %add3A_521, %shift_right_arithmetic3A_7 : vector<16xi32>
      %ge3A_523 = arith.constant 1 : i32
      %ge3A_524 = vector.broadcast %ge3A_523 : i32 to vector<16xi32>
      %ge3A_525 = arith.cmpi sge, %add3A_522, %ge3A_524 : vector<16xi32>
      %select_n3A_526 = arith.select %ge3A_525, %broadcast_in_dim3A_3, %broadcast_in_dim3A_1 : vector<16xi1>, vector<16xf32>
      %sub3A_527 = arith.constant 2 : i32
      %sub3A_528 = arith.subi %add3A_346, %sub3A_527 : i32
      %add3A_529 = vector.broadcast %sub3A_528 : i32 to vector<16xi32>
      %add3A_530 = arith.addi %add3A_529, %shift_right_arithmetic3A_7 : vector<16xi32>
      %sub3A_531 = vector.broadcast %multiple_of3A : i32 to vector<16xi32>
      %sub3A_532 = arith.subi %add3A_530, %sub3A_531 : vector<16xi32>
      %max3A_533 = arith.maxsi %sub3A_532, %broadcast_in_dim3A_5 : vector<16xi32>
      %gather3A_534 = tpu.vector_load_idx %arg4[%max3A_533, %and3A_9] : memref<72x4xi32, #tpu.memory_space<vmem>>[vector<16xi32>, vector<16xi32>], vector<16xi32>,
      %add3A_535 = arith.constant 512 : i32
      %add3A_536 = vector.broadcast %add3A_535 : i32 to vector<16xi32>
      %add3A_537 = arith.addi %gather3A_534, %add3A_536 : vector<16xi32>
      %add3A_538 = vector.broadcast %add3A_346 : i32 to vector<16xi32>
      %add3A_539 = arith.addi %add3A_538, %shift_right_arithmetic3A_7 : vector<16xi32>
      %ge3A_540 = arith.constant 2 : i32
      %ge3A_541 = vector.broadcast %ge3A_540 : i32 to vector<16xi32>
      %ge3A_542 = arith.cmpi sge, %add3A_539, %ge3A_541 : vector<16xi32>
      %select_n3A_543 = arith.select %ge3A_542, %broadcast_in_dim3A_3, %broadcast_in_dim3A_1 : vector<16xi1>, vector<16xf32>
      %sub3A_544 = arith.constant 3 : i32
      %sub3A_545 = arith.subi %add3A_346, %sub3A_544 : i32
      %add3A_546 = vector.broadcast %sub3A_545 : i32 to vector<16xi32>
      %add3A_547 = arith.addi %add3A_546, %shift_right_arithmetic3A_7 : vector<16xi32>
      %sub3A_548 = vector.broadcast %multiple_of3A : i32 to vector<16xi32>
      %sub3A_549 = arith.subi %add3A_547, %sub3A_548 : vector<16xi32>
      %max3A_550 = arith.maxsi %sub3A_549, %broadcast_in_dim3A_5 : vector<16xi32>
      %gather3A_551 = tpu.vector_load_idx %arg4[%max3A_550, %and3A_9] : memref<72x4xi32, #tpu.memory_space<vmem>>[vector<16xi32>, vector<16xi32>], vector<16xi32>,
      %add3A_552 = arith.constant 768 : i32
      %add3A_553 = vector.broadcast %add3A_552 : i32 to vector<16xi32>
      %add3A_554 = arith.addi %gather3A_551, %add3A_553 : vector<16xi32>
      %add3A_555 = vector.broadcast %add3A_346 : i32 to vector<16xi32>
      %add3A_556 = arith.addi %add3A_555, %shift_right_arithmetic3A_7 : vector<16xi32>
      %ge3A_557 = arith.constant 3 : i32
      %ge3A_558 = vector.broadcast %ge3A_557 : i32 to vector<16xi32>
      %ge3A_559 = arith.cmpi sge, %add3A_556, %ge3A_558 : vector<16xi32>
      %select_n3A_560 = arith.select %ge3A_559, %broadcast_in_dim3A_3, %broadcast_in_dim3A_1 : vector<16xi1>, vector<16xf32>
      %sub3A_561 = arith.constant 4 : i32
      %sub3A_562 = arith.subi %add3A_346, %sub3A_561 : i32
      %add3A_563 = vector.broadcast %sub3A_562 : i32 to vector<16xi32>
      %add3A_564 = arith.addi %add3A_563, %shift_right_arithmetic3A_7 : vector<16xi32>
      %sub3A_565 = vector.broadcast %multiple_of3A : i32 to vector<16xi32>
      %sub3A_566 = arith.subi %add3A_564, %sub3A_565 : vector<16xi32>
      %max3A_567 = arith.maxsi %sub3A_566, %broadcast_in_dim3A_5 : vector<16xi32>
      %gather3A_568 = tpu.vector_load_idx %arg4[%max3A_567, %and3A_9] : memref<72x4xi32, #tpu.memory_space<vmem>>[vector<16xi32>, vector<16xi32>], vector<16xi32>,
      %add3A_569 = arith.constant 1024 : i32
      %add3A_570 = vector.broadcast %add3A_569 : i32 to vector<16xi32>
      %add3A_571 = arith.addi %gather3A_568, %add3A_570 : vector<16xi32>
      %add3A_572 = vector.broadcast %add3A_346 : i32 to vector<16xi32>
      %add3A_573 = arith.addi %add3A_572, %shift_right_arithmetic3A_7 : vector<16xi32>
      %ge3A_574 = arith.constant 4 : i32
      %ge3A_575 = vector.broadcast %ge3A_574 : i32 to vector<16xi32>
      %ge3A_576 = arith.cmpi sge, %add3A_573, %ge3A_575 : vector<16xi32>
      %select_n3A_577 = arith.select %ge3A_576, %broadcast_in_dim3A_3, %broadcast_in_dim3A_1 : vector<16xi1>, vector<16xf32>
      %sub3A_578 = arith.constant 5 : i32
      %sub3A_579 = arith.subi %add3A_346, %sub3A_578 : i32
      %add3A_580 = vector.broadcast %sub3A_579 : i32 to vector<16xi32>
      %add3A_581 = arith.addi %add3A_580, %shift_right_arithmetic3A_7 : vector<16xi32>
      %sub3A_582 = vector.broadcast %multiple_of3A : i32 to vector<16xi32>
      %sub3A_583 = arith.subi %add3A_581, %sub3A_582 : vector<16xi32>
      %max3A_584 = arith.maxsi %sub3A_583, %broadcast_in_dim3A_5 : vector<16xi32>
      %gather3A_585 = tpu.vector_load_idx %arg4[%max3A_584, %and3A_9] : memref<72x4xi32, #tpu.memory_space<vmem>>[vector<16xi32>, vector<16xi32>], vector<16xi32>,
      %add3A_586 = arith.constant 1280 : i32
      %add3A_587 = vector.broadcast %add3A_586 : i32 to vector<16xi32>
      %add3A_588 = arith.addi %gather3A_585, %add3A_587 : vector<16xi32>
      %add3A_589 = vector.broadcast %add3A_346 : i32 to vector<16xi32>
      %add3A_590 = arith.addi %add3A_589, %shift_right_arithmetic3A_7 : vector<16xi32>
      %ge3A_591 = arith.constant 5 : i32
      %ge3A_592 = vector.broadcast %ge3A_591 : i32 to vector<16xi32>
      %ge3A_593 = arith.cmpi sge, %add3A_590, %ge3A_592 : vector<16xi32>
      %select_n3A_594 = arith.select %ge3A_593, %broadcast_in_dim3A_3, %broadcast_in_dim3A_1 : vector<16xi1>, vector<16xf32>
      %sub3A_595 = arith.constant 6 : i32
      %sub3A_596 = arith.subi %add3A_346, %sub3A_595 : i32
      %add3A_597 = vector.broadcast %sub3A_596 : i32 to vector<16xi32>
      %add3A_598 = arith.addi %add3A_597, %shift_right_arithmetic3A_7 : vector<16xi32>
      %sub3A_599 = vector.broadcast %multiple_of3A : i32 to vector<16xi32>
      %sub3A_600 = arith.subi %add3A_598, %sub3A_599 : vector<16xi32>
      %max3A_601 = arith.maxsi %sub3A_600, %broadcast_in_dim3A_5 : vector<16xi32>
      %gather3A_602 = tpu.vector_load_idx %arg4[%max3A_601, %and3A_9] : memref<72x4xi32, #tpu.memory_space<vmem>>[vector<16xi32>, vector<16xi32>], vector<16xi32>,
      %add3A_603 = arith.constant 1536 : i32
      %add3A_604 = vector.broadcast %add3A_603 : i32 to vector<16xi32>
      %add3A_605 = arith.addi %gather3A_602, %add3A_604 : vector<16xi32>
      %add3A_606 = vector.broadcast %add3A_346 : i32 to vector<16xi32>
      %add3A_607 = arith.addi %add3A_606, %shift_right_arithmetic3A_7 : vector<16xi32>
      %ge3A_608 = arith.constant 6 : i32
      %ge3A_609 = vector.broadcast %ge3A_608 : i32 to vector<16xi32>
      %ge3A_610 = arith.cmpi sge, %add3A_607, %ge3A_609 : vector<16xi32>
      %select_n3A_611 = arith.select %ge3A_610, %broadcast_in_dim3A_3, %broadcast_in_dim3A_1 : vector<16xi1>, vector<16xf32>
      %sub3A_612 = arith.constant 7 : i32
      %sub3A_613 = arith.subi %add3A_346, %sub3A_612 : i32
      %add3A_614 = vector.broadcast %sub3A_613 : i32 to vector<16xi32>
      %add3A_615 = arith.addi %add3A_614, %shift_right_arithmetic3A_7 : vector<16xi32>
      %sub3A_616 = vector.broadcast %multiple_of3A : i32 to vector<16xi32>
      %sub3A_617 = arith.subi %add3A_615, %sub3A_616 : vector<16xi32>
      %max3A_618 = arith.maxsi %sub3A_617, %broadcast_in_dim3A_5 : vector<16xi32>
      %gather3A_619 = tpu.vector_load_idx %arg4[%max3A_618, %and3A_9] : memref<72x4xi32, #tpu.memory_space<vmem>>[vector<16xi32>, vector<16xi32>], vector<16xi32>,
      %add3A_620 = arith.constant 1792 : i32
      %add3A_621 = vector.broadcast %add3A_620 : i32 to vector<16xi32>
      %add3A_622 = arith.addi %gather3A_619, %add3A_621 : vector<16xi32>
      %add3A_623 = vector.broadcast %add3A_346 : i32 to vector<16xi32>
      %add3A_624 = arith.addi %add3A_623, %shift_right_arithmetic3A_7 : vector<16xi32>
      %ge3A_625 = arith.constant 7 : i32
      %ge3A_626 = vector.broadcast %ge3A_625 : i32 to vector<16xi32>
      %ge3A_627 = arith.cmpi sge, %add3A_624, %ge3A_626 : vector<16xi32>
      %select_n3A_628 = arith.select %ge3A_627, %broadcast_in_dim3A_3, %broadcast_in_dim3A_1 : vector<16xi1>, vector<16xf32>
      tpu.vector_store_idx %arg5[%shift_right_arithmetic3A_7, %and3A_9, %add3A_503], %select_n3A_509 : memref<4x4x2048xf32, #tpu.memory_space<vmem>>[vector<16xi32>, vector<16xi32>, vector<16xi32>], vector<16xf32>,
      tpu.vector_store_idx %arg5[%shift_right_arithmetic3A_7, %and3A_9, %add3A_520], %select_n3A_526 : memref<4x4x2048xf32, #tpu.memory_space<vmem>>[vector<16xi32>, vector<16xi32>, vector<16xi32>], vector<16xf32>,
      tpu.vector_store_idx %arg5[%shift_right_arithmetic3A_7, %and3A_9, %add3A_537], %select_n3A_543 : memref<4x4x2048xf32, #tpu.memory_space<vmem>>[vector<16xi32>, vector<16xi32>, vector<16xi32>], vector<16xf32>,
      tpu.vector_store_idx %arg5[%shift_right_arithmetic3A_7, %and3A_9, %add3A_554], %select_n3A_560 : memref<4x4x2048xf32, #tpu.memory_space<vmem>>[vector<16xi32>, vector<16xi32>, vector<16xi32>], vector<16xf32>,
      tpu.vector_store_idx %arg5[%shift_right_arithmetic3A_7, %and3A_9, %add3A_571], %select_n3A_577 : memref<4x4x2048xf32, #tpu.memory_space<vmem>>[vector<16xi32>, vector<16xi32>, vector<16xi32>], vector<16xf32>,
      tpu.vector_store_idx %arg5[%shift_right_arithmetic3A_7, %and3A_9, %add3A_588], %select_n3A_594 : memref<4x4x2048xf32, #tpu.memory_space<vmem>>[vector<16xi32>, vector<16xi32>, vector<16xi32>], vector<16xf32>,
      tpu.vector_store_idx %arg5[%shift_right_arithmetic3A_7, %and3A_9, %add3A_605], %select_n3A_611 : memref<4x4x2048xf32, #tpu.memory_space<vmem>>[vector<16xi32>, vector<16xi32>, vector<16xi32>], vector<16xf32>,
      tpu.vector_store_idx %arg5[%shift_right_arithmetic3A_7, %and3A_9, %add3A_622], %select_n3A_628 : memref<4x4x2048xf32, #tpu.memory_space<vmem>>[vector<16xi32>, vector<16xi32>, vector<16xi32>], vector<16xf32>,
      %dma_start3A_629 = arith.constant 0 : i32
      %dma_start3A_630 = arith.constant 0 : i32
      %dma_start3A_631 = tpu.memref_slice %arg3[%add3A_346, %dma_start3A_629, %dma_start3A_630] : memref<2048x4x2048xf32, #tpu.memory_space<hbm>> -> memref<4x4x2048xf32, #tpu.memory_space<hbm>>
      %dma_start3A_632 = arith.constant 0 : i32
      %dma_start3A_633 = arith.constant 0 : i32
      %dma_start3A_634 = tpu.memref_slice %arg3[%add3A_346, %dma_start3A_632, %dma_start3A_633] : memref<2048x4x2048xf32, #tpu.memory_space<hbm>> -> memref<4x4x2048xf32, #tpu.memory_space<hbm>>
      tpu.enqueue_dma source(%arg5 : memref<4x4x2048xf32, #tpu.memory_space<vmem>>) target(%dma_start3A_634 : memref<4x4x2048xf32, #tpu.memory_space<hbm>>) target_semaphore(%arg7 : memref<!tpu.dma_semaphore, #tpu.memory_space<semaphore_mem>>)
      %mul3A_635 = arith.constant 2 : i32
      %mul3A_636 = arith.muli %add3A_339, %mul3A_635 : i32
      %add3A_637 = arith.constant 1 : i32
      %add3A_638 = arith.addi %mul3A_636, %add3A_637 : i32
      %mul3A_639 = arith.constant 4 : i32
      %mul3A_640 = arith.muli %add3A_638, %mul3A_639 : i32
      %add3A_641 = arith.addi %mul3A_11, %mul3A_640 : i32
      %sub3A_642 = arith.constant 8 : i32
      %sub3A_643 = arith.subi %add3A_641, %sub3A_642 : i32
      %dma_wait3A_644 = arith.constant 0 : i32
      %dma_wait3A_645 = arith.constant 0 : i32
      %dma_wait3A_646 = tpu.memref_slice %arg3[%sub3A_643, %dma_wait3A_644, %dma_wait3A_645] : memref<2048x4x2048xf32, #tpu.memory_space<hbm>> -> memref<4x4x2048xf32, #tpu.memory_space<hbm>>
      %dma_wait3A_647 = arith.constant 0 : i32
      %dma_wait3A_648 = arith.constant 0 : i32
      %dma_wait3A_649 = tpu.memref_slice %arg3[%sub3A_643, %dma_wait3A_647, %dma_wait3A_648] : memref<2048x4x2048xf32, #tpu.memory_space<hbm>> -> memref<4x4x2048xf32, #tpu.memory_space<hbm>>
      tpu.wait_dma2 semaphore(%arg8 : memref<!tpu.dma_semaphore, #tpu.memory_space<semaphore_mem>>) src(%arg6 : memref<4x4x2048xf32, #tpu.memory_space<vmem>>) dst(%dma_wait3A_649 : memref<4x4x2048xf32, #tpu.memory_space<hbm>>)
      %sub3A_650 = arith.constant 8 : i32
      %sub3A_651 = arith.subi %add3A_641, %sub3A_650 : i32
      %sub3A_652 = arith.constant 0 : i32
      %sub3A_653 = arith.subi %sub3A_651, %sub3A_652 : i32
      %add3A_654 = vector.broadcast %sub3A_653 : i32 to vector<16xi32>
      %add3A_655 = arith.addi %add3A_654, %shift_right_arithmetic3A_7 : vector<16xi32>
      %sub3A_656 = vector.broadcast %multiple_of3A : i32 to vector<16xi32>
      %sub3A_657 = arith.subi %add3A_655, %sub3A_656 : vector<16xi32>
      %max3A_658 = arith.maxsi %sub3A_657, %broadcast_in_dim3A_5 : vector<16xi32>
      %gather3A_659 = tpu.vector_load_idx %arg4[%max3A_658, %and3A_9] : memref<72x4xi32, #tpu.memory_space<vmem>>[vector<16xi32>, vector<16xi32>], vector<16xi32>,
      %add3A_660 = arith.constant 0 : i32
      %add3A_661 = vector.broadcast %add3A_660 : i32 to vector<16xi32>
      %add3A_662 = arith.addi %gather3A_659, %add3A_661 : vector<16xi32>
      %add3A_663 = vector.broadcast %sub3A_651 : i32 to vector<16xi32>
      %add3A_664 = arith.addi %add3A_663, %shift_right_arithmetic3A_7 : vector<16xi32>
      %ge3A_665 = arith.constant 0 : i32
      %ge3A_666 = vector.broadcast %ge3A_665 : i32 to vector<16xi32>
      %ge3A_667 = arith.cmpi sge, %add3A_664, %ge3A_666 : vector<16xi32>
      %select_n3A_668 = arith.select %ge3A_667, %broadcast_in_dim3A_3, %broadcast_in_dim3A_1 : vector<16xi1>, vector<16xf32>
      %sub3A_669 = arith.constant 1 : i32
      %sub3A_670 = arith.subi %sub3A_651, %sub3A_669 : i32
      %add3A_671 = vector.broadcast %sub3A_670 : i32 to vector<16xi32>
      %add3A_672 = arith.addi %add3A_671, %shift_right_arithmetic3A_7 : vector<16xi32>
      %sub3A_673 = vector.broadcast %multiple_of3A : i32 to vector<16xi32>
      %sub3A_674 = arith.subi %add3A_672, %sub3A_673 : vector<16xi32>
      %max3A_675 = arith.maxsi %sub3A_674, %broadcast_in_dim3A_5 : vector<16xi32>
      %gather3A_676 = tpu.vector_load_idx %arg4[%max3A_675, %and3A_9] : memref<72x4xi32, #tpu.memory_space<vmem>>[vector<16xi32>, vector<16xi32>], vector<16xi32>,
      %add3A_677 = arith.constant 256 : i32
      %add3A_678 = vector.broadcast %add3A_677 : i32 to vector<16xi32>
      %add3A_679 = arith.addi %gather3A_676, %add3A_678 : vector<16xi32>
      %add3A_680 = vector.broadcast %sub3A_651 : i32 to vector<16xi32>
      %add3A_681 = arith.addi %add3A_680, %shift_right_arithmetic3A_7 : vector<16xi32>
      %ge3A_682 = arith.constant 1 : i32
      %ge3A_683 = vector.broadcast %ge3A_682 : i32 to vector<16xi32>
      %ge3A_684 = arith.cmpi sge, %add3A_681, %ge3A_683 : vector<16xi32>
      %select_n3A_685 = arith.select %ge3A_684, %broadcast_in_dim3A_3, %broadcast_in_dim3A_1 : vector<16xi1>, vector<16xf32>
      %sub3A_686 = arith.constant 2 : i32
      %sub3A_687 = arith.subi %sub3A_651, %sub3A_686 : i32
      %add3A_688 = vector.broadcast %sub3A_687 : i32 to vector<16xi32>
      %add3A_689 = arith.addi %add3A_688, %shift_right_arithmetic3A_7 : vector<16xi32>
      %sub3A_690 = vector.broadcast %multiple_of3A : i32 to vector<16xi32>
      %sub3A_691 = arith.subi %add3A_689, %sub3A_690 : vector<16xi32>
      %max3A_692 = arith.maxsi %sub3A_691, %broadcast_in_dim3A_5 : vector<16xi32>
      %gather3A_693 = tpu.vector_load_idx %arg4[%max3A_692, %and3A_9] : memref<72x4xi32, #tpu.memory_space<vmem>>[vector<16xi32>, vector<16xi32>], vector<16xi32>,
      %add3A_694 = arith.constant 512 : i32
      %add3A_695 = vector.broadcast %add3A_694 : i32 to vector<16xi32>
      %add3A_696 = arith.addi %gather3A_693, %add3A_695 : vector<16xi32>
      %add3A_697 = vector.broadcast %sub3A_651 : i32 to vector<16xi32>
      %add3A_698 = arith.addi %add3A_697, %shift_right_arithmetic3A_7 : vector<16xi32>
      %ge3A_699 = arith.constant 2 : i32
      %ge3A_700 = vector.broadcast %ge3A_699 : i32 to vector<16xi32>
      %ge3A_701 = arith.cmpi sge, %add3A_698, %ge3A_700 : vector<16xi32>
      %select_n3A_702 = arith.select %ge3A_701, %broadcast_in_dim3A_3, %broadcast_in_dim3A_1 : vector<16xi1>, vector<16xf32>
      %sub3A_703 = arith.constant 3 : i32
      %sub3A_704 = arith.subi %sub3A_651, %sub3A_703 : i32
      %add3A_705 = vector.broadcast %sub3A_704 : i32 to vector<16xi32>
      %add3A_706 = arith.addi %add3A_705, %shift_right_arithmetic3A_7 : vector<16xi32>
      %sub3A_707 = vector.broadcast %multiple_of3A : i32 to vector<16xi32>
      %sub3A_708 = arith.subi %add3A_706, %sub3A_707 : vector<16xi32>
      %max3A_709 = arith.maxsi %sub3A_708, %broadcast_in_dim3A_5 : vector<16xi32>
      %gather3A_710 = tpu.vector_load_idx %arg4[%max3A_709, %and3A_9] : memref<72x4xi32, #tpu.memory_space<vmem>>[vector<16xi32>, vector<16xi32>], vector<16xi32>,
      %add3A_711 = arith.constant 768 : i32
      %add3A_712 = vector.broadcast %add3A_711 : i32 to vector<16xi32>
      %add3A_713 = arith.addi %gather3A_710, %add3A_712 : vector<16xi32>
      %add3A_714 = vector.broadcast %sub3A_651 : i32 to vector<16xi32>
      %add3A_715 = arith.addi %add3A_714, %shift_right_arithmetic3A_7 : vector<16xi32>
      %ge3A_716 = arith.constant 3 : i32
      %ge3A_717 = vector.broadcast %ge3A_716 : i32 to vector<16xi32>
      %ge3A_718 = arith.cmpi sge, %add3A_715, %ge3A_717 : vector<16xi32>
      %select_n3A_719 = arith.select %ge3A_718, %broadcast_in_dim3A_3, %broadcast_in_dim3A_1 : vector<16xi1>, vector<16xf32>
      %sub3A_720 = arith.constant 4 : i32
      %sub3A_721 = arith.subi %sub3A_651, %sub3A_720 : i32
      %add3A_722 = vector.broadcast %sub3A_721 : i32 to vector<16xi32>
      %add3A_723 = arith.addi %add3A_722, %shift_right_arithmetic3A_7 : vector<16xi32>
      %sub3A_724 = vector.broadcast %multiple_of3A : i32 to vector<16xi32>
      %sub3A_725 = arith.subi %add3A_723, %sub3A_724 : vector<16xi32>
      %max3A_726 = arith.maxsi %sub3A_725, %broadcast_in_dim3A_5 : vector<16xi32>
      %gather3A_727 = tpu.vector_load_idx %arg4[%max3A_726, %and3A_9] : memref<72x4xi32, #tpu.memory_space<vmem>>[vector<16xi32>, vector<16xi32>], vector<16xi32>,
      %add3A_728 = arith.constant 1024 : i32
      %add3A_729 = vector.broadcast %add3A_728 : i32 to vector<16xi32>
      %add3A_730 = arith.addi %gather3A_727, %add3A_729 : vector<16xi32>
      %add3A_731 = vector.broadcast %sub3A_651 : i32 to vector<16xi32>
      %add3A_732 = arith.addi %add3A_731, %shift_right_arithmetic3A_7 : vector<16xi32>
      %ge3A_733 = arith.constant 4 : i32
      %ge3A_734 = vector.broadcast %ge3A_733 : i32 to vector<16xi32>
      %ge3A_735 = arith.cmpi sge, %add3A_732, %ge3A_734 : vector<16xi32>
      %select_n3A_736 = arith.select %ge3A_735, %broadcast_in_dim3A_3, %broadcast_in_dim3A_1 : vector<16xi1>, vector<16xf32>
      %sub3A_737 = arith.constant 5 : i32
      %sub3A_738 = arith.subi %sub3A_651, %sub3A_737 : i32
      %add3A_739 = vector.broadcast %sub3A_738 : i32 to vector<16xi32>
      %add3A_740 = arith.addi %add3A_739, %shift_right_arithmetic3A_7 : vector<16xi32>
      %sub3A_741 = vector.broadcast %multiple_of3A : i32 to vector<16xi32>
      %sub3A_742 = arith.subi %add3A_740, %sub3A_741 : vector<16xi32>
      %max3A_743 = arith.maxsi %sub3A_742, %broadcast_in_dim3A_5 : vector<16xi32>
      %gather3A_744 = tpu.vector_load_idx %arg4[%max3A_743, %and3A_9] : memref<72x4xi32, #tpu.memory_space<vmem>>[vector<16xi32>, vector<16xi32>], vector<16xi32>,
      %add3A_745 = arith.constant 1280 : i32
      %add3A_746 = vector.broadcast %add3A_745 : i32 to vector<16xi32>
      %add3A_747 = arith.addi %gather3A_744, %add3A_746 : vector<16xi32>
      %add3A_748 = vector.broadcast %sub3A_651 : i32 to vector<16xi32>
      %add3A_749 = arith.addi %add3A_748, %shift_right_arithmetic3A_7 : vector<16xi32>
      %ge3A_750 = arith.constant 5 : i32
      %ge3A_751 = vector.broadcast %ge3A_750 : i32 to vector<16xi32>
      %ge3A_752 = arith.cmpi sge, %add3A_749, %ge3A_751 : vector<16xi32>
      %select_n3A_753 = arith.select %ge3A_752, %broadcast_in_dim3A_3, %broadcast_in_dim3A_1 : vector<16xi1>, vector<16xf32>
      %sub3A_754 = arith.constant 6 : i32
      %sub3A_755 = arith.subi %sub3A_651, %sub3A_754 : i32
      %add3A_756 = vector.broadcast %sub3A_755 : i32 to vector<16xi32>
      %add3A_757 = arith.addi %add3A_756, %shift_right_arithmetic3A_7 : vector<16xi32>
      %sub3A_758 = vector.broadcast %multiple_of3A : i32 to vector<16xi32>
      %sub3A_759 = arith.subi %add3A_757, %sub3A_758 : vector<16xi32>
      %max3A_760 = arith.maxsi %sub3A_759, %broadcast_in_dim3A_5 : vector<16xi32>
      %gather3A_761 = tpu.vector_load_idx %arg4[%max3A_760, %and3A_9] : memref<72x4xi32, #tpu.memory_space<vmem>>[vector<16xi32>, vector<16xi32>], vector<16xi32>,
      %add3A_762 = arith.constant 1536 : i32
      %add3A_763 = vector.broadcast %add3A_762 : i32 to vector<16xi32>
      %add3A_764 = arith.addi %gather3A_761, %add3A_763 : vector<16xi32>
      %add3A_765 = vector.broadcast %sub3A_651 : i32 to vector<16xi32>
      %add3A_766 = arith.addi %add3A_765, %shift_right_arithmetic3A_7 : vector<16xi32>
      %ge3A_767 = arith.constant 6 : i32
      %ge3A_768 = vector.broadcast %ge3A_767 : i32 to vector<16xi32>
      %ge3A_769 = arith.cmpi sge, %add3A_766, %ge3A_768 : vector<16xi32>
      %select_n3A_770 = arith.select %ge3A_769, %broadcast_in_dim3A_3, %broadcast_in_dim3A_1 : vector<16xi1>, vector<16xf32>
      %sub3A_771 = arith.constant 7 : i32
      %sub3A_772 = arith.subi %sub3A_651, %sub3A_771 : i32
      %add3A_773 = vector.broadcast %sub3A_772 : i32 to vector<16xi32>
      %add3A_774 = arith.addi %add3A_773, %shift_right_arithmetic3A_7 : vector<16xi32>
      %sub3A_775 = vector.broadcast %multiple_of3A : i32 to vector<16xi32>
      %sub3A_776 = arith.subi %add3A_774, %sub3A_775 : vector<16xi32>
      %max3A_777 = arith.maxsi %sub3A_776, %broadcast_in_dim3A_5 : vector<16xi32>
      %gather3A_778 = tpu.vector_load_idx %arg4[%max3A_777, %and3A_9] : memref<72x4xi32, #tpu.memory_space<vmem>>[vector<16xi32>, vector<16xi32>], vector<16xi32>,
      %add3A_779 = arith.constant 1792 : i32
      %add3A_780 = vector.broadcast %add3A_779 : i32 to vector<16xi32>
      %add3A_781 = arith.addi %gather3A_778, %add3A_780 : vector<16xi32>
      %add3A_782 = vector.broadcast %sub3A_651 : i32 to vector<16xi32>
      %add3A_783 = arith.addi %add3A_782, %shift_right_arithmetic3A_7 : vector<16xi32>
      %ge3A_784 = arith.constant 7 : i32
      %ge3A_785 = vector.broadcast %ge3A_784 : i32 to vector<16xi32>
      %ge3A_786 = arith.cmpi sge, %add3A_783, %ge3A_785 : vector<16xi32>
      %select_n3A_787 = arith.select %ge3A_786, %broadcast_in_dim3A_3, %broadcast_in_dim3A_1 : vector<16xi1>, vector<16xf32>
      tpu.vector_store_idx %arg6[%shift_right_arithmetic3A_7, %and3A_9, %add3A_662], %broadcast_in_dim3A_1 : memref<4x4x2048xf32, #tpu.memory_space<vmem>>[vector<16xi32>, vector<16xi32>, vector<16xi32>], vector<16xf32>,
      tpu.vector_store_idx %arg6[%shift_right_arithmetic3A_7, %and3A_9, %add3A_679], %broadcast_in_dim3A_1 : memref<4x4x2048xf32, #tpu.memory_space<vmem>>[vector<16xi32>, vector<16xi32>, vector<16xi32>], vector<16xf32>,
      tpu.vector_store_idx %arg6[%shift_right_arithmetic3A_7, %and3A_9, %add3A_696], %broadcast_in_dim3A_1 : memref<4x4x2048xf32, #tpu.memory_space<vmem>>[vector<16xi32>, vector<16xi32>, vector<16xi32>], vector<16xf32>,
      tpu.vector_store_idx %arg6[%shift_right_arithmetic3A_7, %and3A_9, %add3A_713], %broadcast_in_dim3A_1 : memref<4x4x2048xf32, #tpu.memory_space<vmem>>[vector<16xi32>, vector<16xi32>, vector<16xi32>], vector<16xf32>,
      tpu.vector_store_idx %arg6[%shift_right_arithmetic3A_7, %and3A_9, %add3A_730], %broadcast_in_dim3A_1 : memref<4x4x2048xf32, #tpu.memory_space<vmem>>[vector<16xi32>, vector<16xi32>, vector<16xi32>], vector<16xf32>,
      tpu.vector_store_idx %arg6[%shift_right_arithmetic3A_7, %and3A_9, %add3A_747], %broadcast_in_dim3A_1 : memref<4x4x2048xf32, #tpu.memory_space<vmem>>[vector<16xi32>, vector<16xi32>, vector<16xi32>], vector<16xf32>,
      tpu.vector_store_idx %arg6[%shift_right_arithmetic3A_7, %and3A_9, %add3A_764], %broadcast_in_dim3A_1 : memref<4x4x2048xf32, #tpu.memory_space<vmem>>[vector<16xi32>, vector<16xi32>, vector<16xi32>], vector<16xf32>,
      tpu.vector_store_idx %arg6[%shift_right_arithmetic3A_7, %and3A_9, %add3A_781], %broadcast_in_dim3A_1 : memref<4x4x2048xf32, #tpu.memory_space<vmem>>[vector<16xi32>, vector<16xi32>, vector<16xi32>], vector<16xf32>,
      %sub3A_788 = arith.constant 0 : i32
      %sub3A_789 = arith.subi %add3A_641, %sub3A_788 : i32
      %add3A_790 = vector.broadcast %sub3A_789 : i32 to vector<16xi32>
      %add3A_791 = arith.addi %add3A_790, %shift_right_arithmetic3A_7 : vector<16xi32>
      %sub3A_792 = vector.broadcast %multiple_of3A : i32 to vector<16xi32>
      %sub3A_793 = arith.subi %add3A_791, %sub3A_792 : vector<16xi32>
      %max3A_794 = arith.maxsi %sub3A_793, %broadcast_in_dim3A_5 : vector<16xi32>
      %gather3A_795 = tpu.vector_load_idx %arg4[%max3A_794, %and3A_9] : memref<72x4xi32, #tpu.memory_space<vmem>>[vector<16xi32>, vector<16xi32>], vector<16xi32>,
      %add3A_796 = arith.constant 0 : i32
      %add3A_797 = vector.broadcast %add3A_796 : i32 to vector<16xi32>
      %add3A_798 = arith.addi %gather3A_795, %add3A_797 : vector<16xi32>
      %add3A_799 = vector.broadcast %add3A_641 : i32 to vector<16xi32>
      %add3A_800 = arith.addi %add3A_799, %shift_right_arithmetic3A_7 : vector<16xi32>
      %ge3A_801 = arith.constant 0 : i32
      %ge3A_802 = vector.broadcast %ge3A_801 : i32 to vector<16xi32>
      %ge3A_803 = arith.cmpi sge, %add3A_800, %ge3A_802 : vector<16xi32>
      %select_n3A_804 = arith.select %ge3A_803, %broadcast_in_dim3A_3, %broadcast_in_dim3A_1 : vector<16xi1>, vector<16xf32>
      %sub3A_805 = arith.constant 1 : i32
      %sub3A_806 = arith.subi %add3A_641, %sub3A_805 : i32
      %add3A_807 = vector.broadcast %sub3A_806 : i32 to vector<16xi32>
      %add3A_808 = arith.addi %add3A_807, %shift_right_arithmetic3A_7 : vector<16xi32>
      %sub3A_809 = vector.broadcast %multiple_of3A : i32 to vector<16xi32>
      %sub3A_810 = arith.subi %add3A_808, %sub3A_809 : vector<16xi32>
      %max3A_811 = arith.maxsi %sub3A_810, %broadcast_in_dim3A_5 : vector<16xi32>
      %gather3A_812 = tpu.vector_load_idx %arg4[%max3A_811, %and3A_9] : memref<72x4xi32, #tpu.memory_space<vmem>>[vector<16xi32>, vector<16xi32>], vector<16xi32>,
      %add3A_813 = arith.constant 256 : i32
      %add3A_814 = vector.broadcast %add3A_813 : i32 to vector<16xi32>
      %add3A_815 = arith.addi %gather3A_812, %add3A_814 : vector<16xi32>
      %add3A_816 = vector.broadcast %add3A_641 : i32 to vector<16xi32>
      %add3A_817 = arith.addi %add3A_816, %shift_right_arithmetic3A_7 : vector<16xi32>
      %ge3A_818 = arith.constant 1 : i32
      %ge3A_819 = vector.broadcast %ge3A_818 : i32 to vector<16xi32>
      %ge3A_820 = arith.cmpi sge, %add3A_817, %ge3A_819 : vector<16xi32>
      %select_n3A_821 = arith.select %ge3A_820, %broadcast_in_dim3A_3, %broadcast_in_dim3A_1 : vector<16xi1>, vector<16xf32>
      %sub3A_822 = arith.constant 2 : i32
      %sub3A_823 = arith.subi %add3A_641, %sub3A_822 : i32
      %add3A_824 = vector.broadcast %sub3A_823 : i32 to vector<16xi32>
      %add3A_825 = arith.addi %add3A_824, %shift_right_arithmetic3A_7 : vector<16xi32>
      %sub3A_826 = vector.broadcast %multiple_of3A : i32 to vector<16xi32>
      %sub3A_827 = arith.subi %add3A_825, %sub3A_826 : vector<16xi32>
      %max3A_828 = arith.maxsi %sub3A_827, %broadcast_in_dim3A_5 : vector<16xi32>
      %gather3A_829 = tpu.vector_load_idx %arg4[%max3A_828, %and3A_9] : memref<72x4xi32, #tpu.memory_space<vmem>>[vector<16xi32>, vector<16xi32>], vector<16xi32>,
      %add3A_830 = arith.constant 512 : i32
      %add3A_831 = vector.broadcast %add3A_830 : i32 to vector<16xi32>
      %add3A_832 = arith.addi %gather3A_829, %add3A_831 : vector<16xi32>
      %add3A_833 = vector.broadcast %add3A_641 : i32 to vector<16xi32>
      %add3A_834 = arith.addi %add3A_833, %shift_right_arithmetic3A_7 : vector<16xi32>
      %ge3A_835 = arith.constant 2 : i32
      %ge3A_836 = vector.broadcast %ge3A_835 : i32 to vector<16xi32>
      %ge3A_837 = arith.cmpi sge, %add3A_834, %ge3A_836 : vector<16xi32>
      %select_n3A_838 = arith.select %ge3A_837, %broadcast_in_dim3A_3, %broadcast_in_dim3A_1 : vector<16xi1>, vector<16xf32>
      %sub3A_839 = arith.constant 3 : i32
      %sub3A_840 = arith.subi %add3A_641, %sub3A_839 : i32
      %add3A_841 = vector.broadcast %sub3A_840 : i32 to vector<16xi32>
      %add3A_842 = arith.addi %add3A_841, %shift_right_arithmetic3A_7 : vector<16xi32>
      %sub3A_843 = vector.broadcast %multiple_of3A : i32 to vector<16xi32>
      %sub3A_844 = arith.subi %add3A_842, %sub3A_843 : vector<16xi32>
      %max3A_845 = arith.maxsi %sub3A_844, %broadcast_in_dim3A_5 : vector<16xi32>
      %gather3A_846 = tpu.vector_load_idx %arg4[%max3A_845, %and3A_9] : memref<72x4xi32, #tpu.memory_space<vmem>>[vector<16xi32>, vector<16xi32>], vector<16xi32>,
      %add3A_847 = arith.constant 768 : i32
      %add3A_848 = vector.broadcast %add3A_847 : i32 to vector<16xi32>
      %add3A_849 = arith.addi %gather3A_846, %add3A_848 : vector<16xi32>
      %add3A_850 = vector.broadcast %add3A_641 : i32 to vector<16xi32>
      %add3A_851 = arith.addi %add3A_850, %shift_right_arithmetic3A_7 : vector<16xi32>
      %ge3A_852 = arith.constant 3 : i32
      %ge3A_853 = vector.broadcast %ge3A_852 : i32 to vector<16xi32>
      %ge3A_854 = arith.cmpi sge, %add3A_851, %ge3A_853 : vector<16xi32>
      %select_n3A_855 = arith.select %ge3A_854, %broadcast_in_dim3A_3, %broadcast_in_dim3A_1 : vector<16xi1>, vector<16xf32>
      %sub3A_856 = arith.constant 4 : i32
      %sub3A_857 = arith.subi %add3A_641, %sub3A_856 : i32
      %add3A_858 = vector.broadcast %sub3A_857 : i32 to vector<16xi32>
      %add3A_859 = arith.addi %add3A_858, %shift_right_arithmetic3A_7 : vector<16xi32>
      %sub3A_860 = vector.broadcast %multiple_of3A : i32 to vector<16xi32>
      %sub3A_861 = arith.subi %add3A_859, %sub3A_860 : vector<16xi32>
      %max3A_862 = arith.maxsi %sub3A_861, %broadcast_in_dim3A_5 : vector<16xi32>
      %gather3A_863 = tpu.vector_load_idx %arg4[%max3A_862, %and3A_9] : memref<72x4xi32, #tpu.memory_space<vmem>>[vector<16xi32>, vector<16xi32>], vector<16xi32>,
      %add3A_864 = arith.constant 1024 : i32
      %add3A_865 = vector.broadcast %add3A_864 : i32 to vector<16xi32>
      %add3A_866 = arith.addi %gather3A_863, %add3A_865 : vector<16xi32>
      %add3A_867 = vector.broadcast %add3A_641 : i32 to vector<16xi32>
      %add3A_868 = arith.addi %add3A_867, %shift_right_arithmetic3A_7 : vector<16xi32>
      %ge3A_869 = arith.constant 4 : i32
      %ge3A_870 = vector.broadcast %ge3A_869 : i32 to vector<16xi32>
      %ge3A_871 = arith.cmpi sge, %add3A_868, %ge3A_870 : vector<16xi32>
      %select_n3A_872 = arith.select %ge3A_871, %broadcast_in_dim3A_3, %broadcast_in_dim3A_1 : vector<16xi1>, vector<16xf32>
      %sub3A_873 = arith.constant 5 : i32
      %sub3A_874 = arith.subi %add3A_641, %sub3A_873 : i32
      %add3A_875 = vector.broadcast %sub3A_874 : i32 to vector<16xi32>
      %add3A_876 = arith.addi %add3A_875, %shift_right_arithmetic3A_7 : vector<16xi32>
      %sub3A_877 = vector.broadcast %multiple_of3A : i32 to vector<16xi32>
      %sub3A_878 = arith.subi %add3A_876, %sub3A_877 : vector<16xi32>
      %max3A_879 = arith.maxsi %sub3A_878, %broadcast_in_dim3A_5 : vector<16xi32>
      %gather3A_880 = tpu.vector_load_idx %arg4[%max3A_879, %and3A_9] : memref<72x4xi32, #tpu.memory_space<vmem>>[vector<16xi32>, vector<16xi32>], vector<16xi32>,
      %add3A_881 = arith.constant 1280 : i32
      %add3A_882 = vector.broadcast %add3A_881 : i32 to vector<16xi32>
      %add3A_883 = arith.addi %gather3A_880, %add3A_882 : vector<16xi32>
      %add3A_884 = vector.broadcast %add3A_641 : i32 to vector<16xi32>
      %add3A_885 = arith.addi %add3A_884, %shift_right_arithmetic3A_7 : vector<16xi32>
      %ge3A_886 = arith.constant 5 : i32
      %ge3A_887 = vector.broadcast %ge3A_886 : i32 to vector<16xi32>
      %ge3A_888 = arith.cmpi sge, %add3A_885, %ge3A_887 : vector<16xi32>
      %select_n3A_889 = arith.select %ge3A_888, %broadcast_in_dim3A_3, %broadcast_in_dim3A_1 : vector<16xi1>, vector<16xf32>
      %sub3A_890 = arith.constant 6 : i32
      %sub3A_891 = arith.subi %add3A_641, %sub3A_890 : i32
      %add3A_892 = vector.broadcast %sub3A_891 : i32 to vector<16xi32>
      %add3A_893 = arith.addi %add3A_892, %shift_right_arithmetic3A_7 : vector<16xi32>
      %sub3A_894 = vector.broadcast %multiple_of3A : i32 to vector<16xi32>
      %sub3A_895 = arith.subi %add3A_893, %sub3A_894 : vector<16xi32>
      %max3A_896 = arith.maxsi %sub3A_895, %broadcast_in_dim3A_5 : vector<16xi32>
      %gather3A_897 = tpu.vector_load_idx %arg4[%max3A_896, %and3A_9] : memref<72x4xi32, #tpu.memory_space<vmem>>[vector<16xi32>, vector<16xi32>], vector<16xi32>,
      %add3A_898 = arith.constant 1536 : i32
      %add3A_899 = vector.broadcast %add3A_898 : i32 to vector<16xi32>
      %add3A_900 = arith.addi %gather3A_897, %add3A_899 : vector<16xi32>
      %add3A_901 = vector.broadcast %add3A_641 : i32 to vector<16xi32>
      %add3A_902 = arith.addi %add3A_901, %shift_right_arithmetic3A_7 : vector<16xi32>
      %ge3A_903 = arith.constant 6 : i32
      %ge3A_904 = vector.broadcast %ge3A_903 : i32 to vector<16xi32>
      %ge3A_905 = arith.cmpi sge, %add3A_902, %ge3A_904 : vector<16xi32>
      %select_n3A_906 = arith.select %ge3A_905, %broadcast_in_dim3A_3, %broadcast_in_dim3A_1 : vector<16xi1>, vector<16xf32>
      %sub3A_907 = arith.constant 7 : i32
      %sub3A_908 = arith.subi %add3A_641, %sub3A_907 : i32
      %add3A_909 = vector.broadcast %sub3A_908 : i32 to vector<16xi32>
      %add3A_910 = arith.addi %add3A_909, %shift_right_arithmetic3A_7 : vector<16xi32>
      %sub3A_911 = vector.broadcast %multiple_of3A : i32 to vector<16xi32>
      %sub3A_912 = arith.subi %add3A_910, %sub3A_911 : vector<16xi32>
      %max3A_913 = arith.maxsi %sub3A_912, %broadcast_in_dim3A_5 : vector<16xi32>
      %gather3A_914 = tpu.vector_load_idx %arg4[%max3A_913, %and3A_9] : memref<72x4xi32, #tpu.memory_space<vmem>>[vector<16xi32>, vector<16xi32>], vector<16xi32>,
      %add3A_915 = arith.constant 1792 : i32
      %add3A_916 = vector.broadcast %add3A_915 : i32 to vector<16xi32>
      %add3A_917 = arith.addi %gather3A_914, %add3A_916 : vector<16xi32>
      %add3A_918 = vector.broadcast %add3A_641 : i32 to vector<16xi32>
      %add3A_919 = arith.addi %add3A_918, %shift_right_arithmetic3A_7 : vector<16xi32>
      %ge3A_920 = arith.constant 7 : i32
      %ge3A_921 = vector.broadcast %ge3A_920 : i32 to vector<16xi32>
      %ge3A_922 = arith.cmpi sge, %add3A_919, %ge3A_921 : vector<16xi32>
      %select_n3A_923 = arith.select %ge3A_922, %broadcast_in_dim3A_3, %broadcast_in_dim3A_1 : vector<16xi1>, vector<16xf32>
      tpu.vector_store_idx %arg6[%shift_right_arithmetic3A_7, %and3A_9, %add3A_798], %select_n3A_804 : memref<4x4x2048xf32, #tpu.memory_space<vmem>>[vector<16xi32>, vector<16xi32>, vector<16xi32>], vector<16xf32>,
      tpu.vector_store_idx %arg6[%shift_right_arithmetic3A_7, %and3A_9, %add3A_815], %select_n3A_821 : memref<4x4x2048xf32, #tpu.memory_space<vmem>>[vector<16xi32>, vector<16xi32>, vector<16xi32>], vector<16xf32>,
      tpu.vector_store_idx %arg6[%shift_right_arithmetic3A_7, %and3A_9, %add3A_832], %select_n3A_838 : memref<4x4x2048xf32, #tpu.memory_space<vmem>>[vector<16xi32>, vector<16xi32>, vector<16xi32>], vector<16xf32>,
      tpu.vector_store_idx %arg6[%shift_right_arithmetic3A_7, %and3A_9, %add3A_849], %select_n3A_855 : memref<4x4x2048xf32, #tpu.memory_space<vmem>>[vector<16xi32>, vector<16xi32>, vector<16xi32>], vector<16xf32>,
      tpu.vector_store_idx %arg6[%shift_right_arithmetic3A_7, %and3A_9, %add3A_866], %select_n3A_872 : memref<4x4x2048xf32, #tpu.memory_space<vmem>>[vector<16xi32>, vector<16xi32>, vector<16xi32>], vector<16xf32>,
      tpu.vector_store_idx %arg6[%shift_right_arithmetic3A_7, %and3A_9, %add3A_883], %select_n3A_889 : memref<4x4x2048xf32, #tpu.memory_space<vmem>>[vector<16xi32>, vector<16xi32>, vector<16xi32>], vector<16xf32>,
      tpu.vector_store_idx %arg6[%shift_right_arithmetic3A_7, %and3A_9, %add3A_900], %select_n3A_906 : memref<4x4x2048xf32, #tpu.memory_space<vmem>>[vector<16xi32>, vector<16xi32>, vector<16xi32>], vector<16xf32>,
      tpu.vector_store_idx %arg6[%shift_right_arithmetic3A_7, %and3A_9, %add3A_917], %select_n3A_923 : memref<4x4x2048xf32, #tpu.memory_space<vmem>>[vector<16xi32>, vector<16xi32>, vector<16xi32>], vector<16xf32>,
      %dma_start3A_924 = arith.constant 0 : i32
      %dma_start3A_925 = arith.constant 0 : i32
      %dma_start3A_926 = tpu.memref_slice %arg3[%add3A_641, %dma_start3A_924, %dma_start3A_925] : memref<2048x4x2048xf32, #tpu.memory_space<hbm>> -> memref<4x4x2048xf32, #tpu.memory_space<hbm>>
      %dma_start3A_927 = arith.constant 0 : i32
      %dma_start3A_928 = arith.constant 0 : i32
      %dma_start3A_929 = tpu.memref_slice %arg3[%add3A_641, %dma_start3A_927, %dma_start3A_928] : memref<2048x4x2048xf32, #tpu.memory_space<hbm>> -> memref<4x4x2048xf32, #tpu.memory_space<hbm>>
      tpu.enqueue_dma source(%arg6 : memref<4x4x2048xf32, #tpu.memory_space<vmem>>) target(%dma_start3A_929 : memref<4x4x2048xf32, #tpu.memory_space<hbm>>) target_semaphore(%arg8 : memref<!tpu.dma_semaphore, #tpu.memory_space<semaphore_mem>>)
    }
    %scan3A_318 = arith.constant 7 : i32
    %add3A_319 = arith.constant 56 : i32
    %add3A_320 = arith.addi %mul3A_11, %add3A_319 : i32
    %dma_wait3A_321 = arith.constant 0 : i32
    %dma_wait3A_322 = arith.constant 0 : i32
    %dma_wait3A_323 = tpu.memref_slice %arg3[%add3A_320, %dma_wait3A_321, %dma_wait3A_322] : memref<2048x4x2048xf32, #tpu.memory_space<hbm>> -> memref<4x4x2048xf32, #tpu.memory_space<hbm>>
    %dma_wait3A_324 = arith.constant 0 : i32
    %dma_wait3A_325 = arith.constant 0 : i32
    %dma_wait3A_326 = tpu.memref_slice %arg3[%add3A_320, %dma_wait3A_324, %dma_wait3A_325] : memref<2048x4x2048xf32, #tpu.memory_space<hbm>> -> memref<4x4x2048xf32, #tpu.memory_space<hbm>>
    tpu.wait_dma2 semaphore(%arg7 : memref<!tpu.dma_semaphore, #tpu.memory_space<semaphore_mem>>) src(%arg5 : memref<4x4x2048xf32, #tpu.memory_space<vmem>>) dst(%dma_wait3A_326 : memref<4x4x2048xf32, #tpu.memory_space<hbm>>)
    %add3A_327 = arith.constant 4 : i32
    %add3A_328 = arith.addi %add3A_320, %add3A_327 : i32
    %dma_wait3A_329 = arith.constant 0 : i32
    %dma_wait3A_330 = arith.constant 0 : i32
    %dma_wait3A_331 = tpu.memref_slice %arg3[%add3A_328, %dma_wait3A_329, %dma_wait3A_330] : memref<2048x4x2048xf32, #tpu.memory_space<hbm>> -> memref<4x4x2048xf32, #tpu.memory_space<hbm>>
    %dma_wait3A_332 = arith.constant 0 : i32
    %dma_wait3A_333 = arith.constant 0 : i32
    %dma_wait3A_334 = tpu.memref_slice %arg3[%add3A_328, %dma_wait3A_332, %dma_wait3A_333] : memref<2048x4x2048xf32, #tpu.memory_space<hbm>> -> memref<4x4x2048xf32, #tpu.memory_space<hbm>>
    tpu.wait_dma2 semaphore(%arg8 : memref<!tpu.dma_semaphore, #tpu.memory_space<semaphore_mem>>) src(%arg6 : memref<4x4x2048xf32, #tpu.memory_space<vmem>>) dst(%dma_wait3A_334 : memref<4x4x2048xf32, #tpu.memory_space<hbm>>)
    return
  }
}

</mosaic_0001>

<sc_bundles>
// kernel: kernel.3.cloned.1.call-start
scs
__scs_entry_jumppad:
0x0: {  	(pc) =	sbr.rel $0x88, $3  }
0x1: {  	(tag) =	ssettag $0x0;
	lr =	simm.s32 $0x1  }
0x2: {  	[smem:$0x3FA0] =	sst lr;
	_ =	strace $0xD0000000  }
0x3: {  	_ = 	snop  }
0x4: {  	_ = 	snop  }
0x5: {  	_ = 	snop  }
0x6: {  	_ = 	snop  }
0x7: {  	_ = 	snop  }
__scs_overlays_trampoline_lowered:
0x8: {  	[smem:$0x3FAF] =	sst s0  }
0x9: {  	[smem:$0x3FB0] =	sst s1  }
0xa: {  	[smem:$0x3FB1] =	sst s2  }
0xb: {  	[smem:$0x3FB2] =	sst s3  }
0xc: {  	[smem:$0x3FB3] =	sst s4  }
0xd: {  	[smem:$0x3FB4] =	sst s5  }
0xe: {  	[smem:$0x3FB5] =	sst s6  }
0xf: {  	[smem:$0x3FB6] =	sst s7  }
0x10: {  	[smem:$0x3FB7] =	sst s8  }
0x11: {  	[smem:$0x3FB8] =	sst s9;
	s0 =	simm.s32 @!p0 $0x0  }
0x12: {  	s1 =	sld [smem:$0x3F9E];
	s0 =	simm.s32 @p0 $0x1  }
0x13: {  	[smem:$0x3FB9] =	sst s0;
	s0 =	simm.s32 @!p1 $0x0  }
0x14: {  	s2 =	sld [smem:$0x3F9D];
	s0 =	simm.s32 @p1 $0x1  }
0x15: {  	[smem:$0x3FBA] =	sst s0;
	s0 =	simm.s32 @!p2 $0x0  }
0x16: {  	s3 =	sld [smem:$0x3FDB];
	s0 =	simm.s32 @p2 $0x1  }
0x17: {  	s4 =	simm.s32 $0x1BF5;
	[smem:$0x3FBC] =	sst s0  }
0x18: {  	s0 =	sld [smem:$0x3F9F];
	_ =	swait.ge [sflag:s4], $0x0  }
0x19: {  	s7 =	sld [smem:$0x3FA0]  }
0x1a: {  	s8 =	sadd.s32 $0xFFFFE003, lr  }
0x1b: {  	s9 =	sadd.s32 $0xFFFFFEF7, lr;
	s5 =	simm.s32 $0xFFFFFFFF;
	p2 =	slt.u32 s8, $0xFFFFF086  }
0x1c: {  	p1 =	slt.u32 s9, $0xF7A;
	s5 =	simm.s32 @!p2 $0x0  }
0x1d: {  	s5 =	simm.s32 @p1 $0x1;
	p0 =	seq.s32 s7, s2  }
0x1e: {  	s7 =	smul.u32 @!p0 $0xF7A, s2;
	p2 =	seq.s32 @!p0 s5, $0x0  }
0x1f: {  	s9 =	smul.u32 $0xF7A, s1;
	s8 =	simm.s32 @!p0 $0x1BF5;
	p2 =	por !p2, p0  }
0x20: {  	[sflag:s8] =	ssyncset.s32 @!p0 $0xFFFFF086;
	s6 =	sadd.s32 @!p0 s3, s7;
	s7 =	simm.s32 @!p0 $0x108  }
0x21: {  	s3 =	sadd.s32 s3, s9;
	s6 =	sadd.s32 @!p0 $0x88, s6;
	s7 =	simm.s32 @p2 $0x1082  }
0x22: {  	[simem:s7], [sflag:s8] =	dma.local @!p0 [hbm:s6], $0xF7A  }
0x23: {  	s9 =	sor.u32 $0xD0000000, s2;
	s6 =	simm.s32 $0x108;
	_ =	swait.ge @!p0 [sflag:s8], $0x0  }
0x24: {  	s3 =	sadd.s32 $0x88, s3;
	s6 =	simm.s32 @!p1 $0x1082;
	[sflag:s4] =	ssyncset.s32 $0xFFFFF086  }
0x25: {  	[simem:s6], [sflag:s4] =	dma.local [hbm:s3], $0xF7A  }
0x26: {  	[smem:$0x3FA0] =	sst s1;
	(tag) =	ssettag s2;
	_ =	strace s9  }
0x27: {  	s1 =	sld [smem:$0x3FB0]  }
0x28: {  	s2 =	sld [smem:$0x3FB1]  }
0x29: {  	s4 =	sld [smem:$0x3FB3]  }
0x2a: {  	p0 =	seq.s32 s5, $0x0;
	s5 =	sld [smem:$0x3FB4]  }
0x2b: {  	s6 =	sld [smem:$0x3FB5]  }
0x2c: {  	s7 =	sld [smem:$0x3FB6]  }
0x2d: {  	s3 =	simm.s32 $0x108;
	s8 =	sld [smem:$0x3FB7]  }
0x2e: {  	s3 =	simm.s32 @!p0 $0x1082;
	s9 =	sld [smem:$0x3FB8]  }
0x2f: {  	lr =	sadd.s32 s0, s3;
	s0 =	sld [smem:$0x3FAF]  }
0x30: {  	s3 =	sld [smem:$0x3FB2]  }
0x31: {  	[smem:$0x3FBB] =	sst s10  }
0x32: {  	s10 =	sld [smem:$0x3FB9];
	_ =	sdelay $0x3  }
0x33: {  	p0 =	seq.s32 s10, $0x1;
	s10 =	sld [smem:$0x3FBB];
	_ =	sdelay $0x3  }
0x34: {  	[smem:$0x3FBB] =	sst s10  }
0x35: {  	s10 =	sld [smem:$0x3FBA];
	_ =	sdelay $0x3  }
0x36: {  	p1 =	seq.s32 s10, $0x1;
	s10 =	sld [smem:$0x3FBB];
	_ =	sdelay $0x3  }
0x37: {  	[smem:$0x3FBB] =	sst s10  }
0x38: {  	s10 =	sld [smem:$0x3FBC]  }
0x39: {  	_ = 	snop;
	(pc) =	sbr.ind lr, $3  }
0x3a: {  	_ = 	snop  }
0x3b: {  	_ = 	snop  }
0x3c: {  	p2 =	seq.s32 s10, $0x1;
	s10 =	sld [smem:$0x3FBB]  }
0x3d: {  	_ =	shalt  }
0x3e: {  	_ =	shalt  }
0x3f: {  	_ =	shalt  }
0x40: {  	_ =	shalt  }
0x41: {  	_ =	shalt  }
0x42: {  	_ =	shalt  }
0x43: {  	_ =	shalt  }
0x44: {  	_ =	shalt  }
0x45: {  	_ =	shalt  }
0x46: {  	_ =	shalt  }
0x47: {  	_ =	shalt  }
0x48: {  	_ =	shalt  }
0x49: {  	_ =	shalt  }
0x4a: {  	_ =	shalt  }
0x4b: {  	_ =	shalt  }
0x4c: {  	_ =	shalt  }
0x4d: {  	_ =	shalt  }
0x4e: {  	_ =	shalt  }
0x4f: {  	_ =	shalt  }
0x50: {  	_ =	shalt  }
0x51: {  	_ =	shalt  }
0x52: {  	_ =	shalt  }
0x53: {  	_ =	shalt  }
0x54: {  	_ =	shalt  }
0x55: {  	_ =	shalt  }
0x56: {  	_ =	shalt  }
0x57: {  	_ =	shalt  }
0x58: {  	_ =	shalt  }
0x59: {  	_ =	shalt  }
0x5a: {  	_ =	shalt  }
0x5b: {  	_ =	shalt  }
0x5c: {  	_ =	shalt  }
0x5d: {  	_ =	shalt  }
0x5e: {  	_ =	shalt  }
0x5f: {  	_ =	shalt  }
0x60: {  	_ =	shalt  }
0x61: {  	_ =	shalt  }
0x62: {  	_ =	shalt  }
0x63: {  	_ =	shalt  }
0x64: {  	_ =	shalt  }
0x65: {  	_ =	shalt  }
0x66: {  	_ =	shalt  }
0x67: {  	_ =	shalt  }
0x68: {  	_ =	shalt  }
0x69: {  	_ =	shalt  }
0x6a: {  	_ =	shalt  }
0x6b: {  	_ =	shalt  }
0x6c: {  	_ =	shalt  }
0x6d: {  	_ =	shalt  }
0x6e: {  	_ =	shalt  }
0x6f: {  	_ =	shalt  }
0x70: {  	_ =	shalt  }
0x71: {  	_ =	shalt  }
0x72: {  	_ =	shalt  }
0x73: {  	_ =	shalt  }
0x74: {  	_ =	shalt  }
0x75: {  	_ =	shalt  }
0x76: {  	_ =	shalt  }
0x77: {  	_ =	shalt  }
0x78: {  	_ =	shalt  }
0x79: {  	_ =	shalt  }
0x7a: {  	_ =	shalt  }
0x7b: {  	_ =	shalt  }
0x7c: {  	_ =	shalt  }
0x7d: {  	_ =	shalt  }
0x7e: {  	_ =	shalt  }
0x7f: {  	_ =	shalt  }
0x80: {  	_ =	shalt  }
0x81: {  	_ =	shalt  }
0x82: {  	_ =	shalt  }
0x83: {  	_ =	shalt  }
0x84: {  	_ =	shalt  }
0x85: {  	_ =	shalt  }
0x86: {  	_ =	shalt  }
0x87: {  	_ =	shalt  }
.Lfunc_end0:
.L_simem_size_0:
called_computation_lowered:
.L_overlay_start_0:
0x88: {  	s2 =	sld [smem:$0x3FD9]  }
0x89: {  	s3 =	sld [smem:$0x3FFE];
	_ =	sdelay $0x1  }
0x8a: {  	s1 =	srdreg.scid  }
0x8b: {  	s0 =	sand.u32 $0x1, s1  }
0x8c: {  	s17 =	sshll.u32 s0, $0xA;
	s2 =	sadd.s32 s3, s2  }
0x8d: {  	s2 =	sadd.s32 s2, s17  }
0x8e: {  	[smem:$0x3FC7] =	sst s2  }
0x8f: {  	_ = 	snop  }
0x90: {  	s2 =	sld [smem:$0x3FD0];
	(tm) =	ssettm $0x1  }
0x91: {  	s18 =	sld [smem:$0x3FFB];
	_ =	sdelay $0x3  }
0x92: {  	_ =	strace s18  }
0x93: {  	s3 =	sld [smem:$0x3FFC];
	_ =	sdelay $0x3  }
0x94: {  	_ =	strace s3  }
0x95: {  	s3 =	sld [smem:$0x3FFD];
	_ =	sdelay $0x3  }
0x96: {  	_ =	strace s3  }
0x97: {  	_ =	strace $0x8FFFFFFF  }
0x98: {  	s19 =	sld [smem:$0x3FDB];
	_ =	sdelay $0x1  }
0x99: {  	s4 =	simm.s32 $_scs_section_size  }
0x9a: {  	s5 =	simm.s32 $_size__tile_overlayer_lowered;
	s6 =	simm.s32 $_tile_overlayer_lowered  }
0x9b: {  	s22 =	simm.s32 $0x1BFF;
	s21 =	sshll.u32 s6, $0x1;
	s3 =	sadd.s32 s4, s19  }
0x9c: {  	s7 =	simm.s32 $0x0;
	s20 =	sshll.u32 s5, $0x1;
	s5 =	sadd.s32 s21, s3  }
0x9d: {  	[timem:s7], [sflag:s22] =	dma.local [hbm:s5], s20  }
0x9e: {  	_ =	swait.ge [sflag:s22], s20  }
0x9f: {  	s4 =	ssub.s32 $0x0, s20;
	[sflag:s22] =	ssyncset.done $0x0  }
0xa0: {  	[sflag:s22] =	ssyncadd.s32 s4;
	_ =	sdelay $0x1  }
0xa1: {  	s23 =	simm.s32 $0x1B8B  }
0xa2: {  	_ =	swait.ge [sflag:s23], $0x1  }
0xa3: {  	[sflag:s23] =	ssyncset.done $0x0  }
0xa4: {  	s25 =	simm.s32 $0x1B8E;
	s24 =	sld [smem:$0x3FFE];
	[sflag:s23] =	ssyncadd.s32 $0xFFFFFFFF  }
0xa5: {  	s26 =	simm.s32 $execute0_lowered;
	[smem:$0x3FD2] =	sst s25  }
0xa6: {  	s5 =	sshll.u32 s26, $0x1;
	_ =	strace $0x80000046;
	[dreg:$0x1] =	wrdreg $0xFFFFFFFF  }
0xa7: {  	s28 =	simm.s32 $_size_execute0_lowered;
	s3 =	sadd.s32 s3, s5;
	[dreg:$0x0] =	wrdreg $0x0  }
0xa8: {  	s5 =	sshll.u32 s28, $0x1;
	[dreg:$0x2] =	wrdreg s3  }
0xa9: {  	[dreg:$0x3] =	wrdreg s5  }
0xaa: {  	[dreg:$0x4] =	wrdreg $0xC0  }
0xab: {  	_ =	task [dreg:s7], $0x5FFFF  }
0xac: {  	[dreg:$0x1] =	wrdreg $0xFFFFFFFF  }
0xad: {  	[dreg:$0x0] =	wrdreg $0x60  }
0xae: {  	[dreg:$0x2] =	wrdreg s24  }
0xaf: {  	[dreg:$0x3] =	wrdreg s2  }
0xb0: {  	[dreg:$0x4] =	wrdreg $0x9  }
0xb1: {  	_ =	task.clear_ibuf [dreg:s7], $0x5FFFF;
	_ =	strace $0x90000046  }
0xb2: {  	s29 =	simm.s32 $0x9;
	_ =	strace $0x80000048  }
0xb3: {  	_ =	swait.ge [sflag:s29], $0x1  }
0xb4: {  	[sflag:s29] =	ssyncadd.s32 $0xFFFFFFFF  }
0xb5: {  	_ =	strace $0x90000048  }
0xb6: {  	_ =	sfence  }
0xb7: {  	s30 =	sld [smem:$0x0];
	_ =	sdelay $0x2  }
0xb8: {  	s31 =	sshll.u32 s1, $0xD;
	s1 =	sshrl.u32 s1, $0x2  }
0xb9: {  	s3 =	sand.u32 $0x4000, s31;
	s1 =	sadd.s32 s1, s30  }
0xba: {  	s0 =	sor.u32 s3, s0;
	s1 =	sshll.u32 s1, $0x11  }
0xbb: {  	s0 =	sor.u32 s1, s0  }
0xbc: {  	s0 =	sadd.s32 $0x8F2B, s0  }
0xbd: {  	[sflag:s0] =	ssyncadd.remote.s32 $0x1  }
0xbe: {  	_ =	sfence.sel $0xFFFF  }
0xbf: {  	[dreg:$0x0] =	wrdreg $0xFFFFFFFF;
	(pc) =	sbr.abs _section_cstart, $3  }
0xc0: {  	[dreg:$0x1] =	wrdreg $0xFFFFFFFF  }
0xc1: {  	_ =	task.clear_ibuf [dreg:s7], $0x2FFFF;
	_ =	strace $0x9FFFFFFF  }
0xc2: {  	(tm) =	ssettm $0x7FFFFFFF  }
0xc3: {  	_ =	shalt  }
tec
execute0_lowered:
.L_overlay_start_1:
0x0: {  	(tag) =	ssettag $0x1  }
0x1: {  	s1 =	srdreg.scid;
	v2 =	vlaneseq.u32  }
0x2: {  	s0 =	stileid.u32;
	v28 =	vimm.s32 $0x6180;
	v29 =	vimm.s32 $0x6580;
	vm3 =	vcmask $0x2F2C;
	s6 =	sand.u32 $0x1, s1  }
0x3: {  	v30 =	vimm.s32 $0x6980;
	v31 =	vimm.s32 $0x6D80;
	v32 =	vimm.s32 $0x7180;
	s18 =	sshll.u32 s0, $0x7;
	s2 =	sshll.u32 s6, $0x6  }
0x4: {  	v33 =	vimm.s32 $0x7580;
	v34 =	vimm.s32 $0x7980;
	v0 =	vshrl.u32 v2, $0x2;
	s1 =	sor.u32 s2, s18  }
0x5: {  	v35 =	vimm.s32 $0x7D80;
	v18 =	vor.u32 s1, v0;
	v13 =	vmov s1  }
0x6: {  	v2 =	vand.u32 $0x3, v2;
	s21 =	sadd.s32 $0xFFFFFFFC, s1;
	vm9 =	veq.s32 v13, v0;
	vm10 =	vgt.u32 v18, $0x1  }
0x7: {  	s2 =	smax.u32 s1, $0x8;
	s7 =	sor.u32 $0x4, s1;
	v11 =	vor.u32 s21, v0;
	vm12 =	vgt.u32 v18, $0x2;
	vm15 =	veq.s32 v13, $0x0  }
0x8: {  	s2 =	sadd.s32 $0xFFFFFFF8, s2;
	vm5 =	vgt.u32 v18, $0x4;
	vm7 =	vgt.u32 v18, $0x5;
	v24 =	vor.u32 s7, v0  }
0x9: {  	s3 =	sadd.s32 $0xFFFFFFFF, s1;
	s19 =	sadd.s32 $0xFFFFFFFE, s1;
	v25 =	vmov s7;
	v1 =	vmov s2;
	vm2 =	vgt.u32 v24, $0x6  }
0xa: {  	s22 =	sadd.s32 $0xFFFFFFFB, s1;
	s23 =	sadd.s32 $0xFFFFFFFA, s1;
	v3 =	vsub.s32 s3, v1;
	v4 =	vsub.s32 v18, v1;
	v5 =	vsub.s32 s19, v1  }
0xb: {  	s25 =	sor.u32 $0x3, s1;
	s26 =	sor.u32 $0x2, s1;
	v12 =	vsub.s32 v11, v1;
	v11 =	vsub.s32 s22, v1;
	v15 =	vsub.s32 s23, v1  }
0xc: {  	s28 =	sor.u32 $0x1, s1;
	v20 =	vsub.s32 v24, v1;
	v21 =	vsub.s32 s25, v1;
	v22 =	vsub.s32 s26, v1  }
0xd: {  	v23 =	vsub.s32 s28, v1;
	v3 =	vbroadcast v3, $0x0;
	v5 =	vbroadcast v5, $0x0  }
0xe: {  	vm0 =	vgt.s32 v4, $0x0;
	v14 =	vbroadcast v11, $0x0;
	v15 =	vbroadcast v15, $0x0  }
0xf: {  	vm13 =	vgt.s32 v12, $0x0;
	v21 =	vbroadcast v21, $0x0;
	v22 =	vbroadcast v22, $0x0  }
0x10: {  	v23 =	vbroadcast v23, $0x0;
	v4 =	vnsel vm0, $0x0, v4;
	v12 =	vnsel vm13, $0x0, v12  }
0x11: {  	s20 =	sadd.s32 $0xFFFFFFFD, s1;
	v3 =	vadd.s32 v0, v3;
	v4 =	vshll.u32 v4, $0x7;
	v7 =	vadd.s32 v0, v5  }
0x12: {  	v5 =	vsub.s32 s20, v1;
	v12 =	vshll.u32 v12, $0x7;
	v14 =	vadd.s32 v0, v14  }
0x13: {  	v15 =	vadd.s32 v0, v15;
	v21 =	vadd.s32 v0, v21;
	v22 =	vadd.s32 v0, v22  }
0x14: {  	v23 =	vadd.s32 v0, v23;
	vm8 =	vgt.s32 v3, $0x0;
	vm1 =	vgt.s32 v7, $0x0  }
0x15: {  	v8 =	vbroadcast v5, $0x0;
	v12 =	vor.u32 v2, v12;
	vm14 =	vgt.s32 v14, $0x0  }
0x16: {  	vm4 =	vgt.s32 v15, $0x0;
	v6 =	vnsel vm8, $0x0, v3;
	v3 =	vor.u32 v2, v4  }
0x17: {  	s24 =	sadd.s32 $0xFFFFFFF9, s1;
	v4 =	vimm.f32 $1.000000000e+00;
	v9 =	vnsel vm1, $0x0, v7;
	v7 =	vimm.f32 $0.0e+00  }
0x18: {  	v13 =	vnsel vm14, $0x0, v14;
	v14 =	vsub.s32 s24, v1;
	vm8 =	vgt.u32 v18, $0x6  }
0x19: {  	vm14 =	vgt.u32 v24, $0x5;
	vm1 =	vcmask $0x3734;
	v6 =	vshll.u32 v6, $0x7  }
0x1a: {  	v9 =	vshll.u32 v9, $0x7;
	v10 =	vadd.s32 v0, v8;
	v11 =	vsel vm12, $0x3F800000, v7  }
0x1b: {  	v16 =	vshll.u32 v13, $0x7;
	v17 =	vbroadcast v14, $0x0;
	v13 =	vsel vm15, $0x0, v4  }
0x1c: {  	vm12 =	vgt.s32 v23, $0x0;
	v26 =	vsel vm2, $0x3F800000, v7;
	vm2 =	vcmask $0x3330  }
0x1d: {  	vm15 =	vcmask $0x3B38;
	v5 =	vor.u32 v2, v6;
	v6 =	vsel vm9, $0x0, v4  }
0x1e: {  	v8 =	vor.u32 v2, v9;
	vm11 =	vgt.s32 v10, $0x0;
	v9 =	vsel vm10, $0x3F800000, v7  }
0x1f: {  	v14 =	vor.u32 v2, v16;
	v16 =	vnsel vm4, $0x0, v15;
	v15 =	vsel vm5, $0x3F800000, v7  }
0x20: {  	vm9 =	vgt.s32 v20, $0x0;
	vm10 =	vgt.s32 v21, $0x0;
	v23 =	vnsel vm12, $0x0, v23  }
0x21: {  	vm12 =	vcmask $0x704;
	vm5 =	vcmask $0x2724;
	vm4 =	vcmask $0x2B28  }
0x22: {  	v10 =	vnsel vm11, $0x0, v10;
	v17 =	vadd.s32 v0, v17;
	v16 =	vshll.u32 v16, $0x7  }
0x23: {  	v20 =	vnsel vm9, $0x0, v20;
	v21 =	vnsel vm10, $0x0, v21;
	vm11 =	vgt.s32 v22, $0x0  }
0x24: {  	v27 =	vshll.u32 v23, $0x7;
	v23 =	vor.u32 $0x4, v0;
	vm10 =	vcmask $0x1310  }
0x25: {  	vm9 =	vcmask $0x1714;
	v10 =	vshll.u32 v10, $0x7;
	vm6 =	vgt.s32 v17, $0x0  }
0x26: {  	v16 =	vor.u32 v2, v16;
	v20 =	vshll.u32 v20, $0x7;
	v21 =	vshll.u32 v21, $0x7  }
0x27: {  	v22 =	vnsel vm11, $0x0, v22;
	vm13 =	veq.s32 v25, v23;
	v25 =	vsel vm14, $0x3F800000, v7  }
0x28: {  	vm11 =	vcmask $0x300;
	vm14 =	vcmask $0xF0C;
	v27 =	vor.u32 v2, v27  }
0x29: {  	v10 =	vor.u32 v2, v10;
	v19 =	vnsel vm6, $0x0, v17;
	v17 =	vsel vm7, $0x3F800000, v7  }
0x2a: {  	v20 =	vor.u32 v2, v20;
	v21 =	vor.u32 v2, v21;
	v22 =	vshll.u32 v22, $0x7  }
0x2b: {  	v24 =	vsel vm13, $0x0, v4;
	v28 =	vsel vm11, $0x0, v28;
	v29 =	vsel vm11, $0x400, v29  }
0x2c: {  	vm13 =	vcmask $0xB08;
	vm7 =	vcmask $0x1F1C;
	vm6 =	vcmask $0x2320  }
0x2d: {  	v30 =	vsel vm11, $0x800, v30;
	v31 =	vsel vm11, $0xC00, v31;
	v32 =	vsel vm11, $0x1000, v32  }
0x2e: {  	v33 =	vsel vm11, $0x1400, v33;
	v34 =	vsel vm11, $0x1800, v34;
	v35 =	vsel vm11, $0x1C00, v35  }
0x2f: {  	v19 =	vshll.u32 v19, $0x7;
	v22 =	vor.u32 v2, v22;
	v28 =	vsel vm12, $0x80, v28  }
0x30: {  	v29 =	vsel vm12, $0x480, v29;
	v30 =	vsel vm12, $0x880, v30;
	v31 =	vsel vm12, $0xC80, v31  }
0x31: {  	v32 =	vsel vm12, $0x1080, v32;
	v33 =	vsel vm12, $0x1480, v33;
	v34 =	vsel vm12, $0x1880, v34  }
0x32: {  	v35 =	vsel vm12, $0x1C80, v35;
	v18 =	vor.u32 v2, v19;
	v19 =	vsel vm8, $0x3F800000, v7  }
0x33: {  	v28 =	vsel vm13, $0x100, v28;
	v29 =	vsel vm13, $0x500, v29;
	vm8 =	vcmask $0x1B18  }
0x34: {  	v30 =	vsel vm13, $0x900, v30;
	v31 =	vsel vm13, $0xD00, v31;
	v32 =	vsel vm13, $0x1100, v32  }
0x35: {  	v33 =	vsel vm13, $0x1500, v33;
	v34 =	vsel vm13, $0x1900, v34;
	v35 =	vsel vm13, $0x1D00, v35  }
0x36: {  	v28 =	vsel vm14, $0x180, v28;
	v29 =	vsel vm14, $0x580, v29;
	v30 =	vsel vm14, $0x980, v30  }
0x37: {  	v31 =	vsel vm14, $0xD80, v31;
	v32 =	vsel vm14, $0x1180, v32;
	v33 =	vsel vm14, $0x1580, v33  }
0x38: {  	v34 =	vsel vm14, $0x1980, v34;
	v35 =	vsel vm14, $0x1D80, v35;
	v28 =	vsel vm10, $0x2000, v28  }
0x39: {  	v29 =	vsel vm10, $0x2400, v29;
	v30 =	vsel vm10, $0x2800, v30;
	v31 =	vsel vm10, $0x2C00, v31  }
0x3a: {  	v32 =	vsel vm10, $0x3000, v32;
	v33 =	vsel vm10, $0x3400, v33;
	v34 =	vsel vm10, $0x3800, v34  }
0x3b: {  	v35 =	vsel vm10, $0x3C00, v35;
	v28 =	vsel vm9, $0x2080, v28;
	v29 =	vsel vm9, $0x2480, v29  }
0x3c: {  	v30 =	vsel vm9, $0x2880, v30;
	v31 =	vsel vm9, $0x2C80, v31;
	v32 =	vsel vm9, $0x3080, v32  }
0x3d: {  	v33 =	vsel vm9, $0x3480, v33;
	v34 =	vsel vm9, $0x3880, v34;
	v35 =	vsel vm9, $0x3C80, v35  }
0x3e: {  	v28 =	vsel vm8, $0x2100, v28;
	v29 =	vsel vm8, $0x2500, v29;
	v30 =	vsel vm8, $0x2900, v30  }
0x3f: {  	v31 =	vsel vm8, $0x2D00, v31;
	v32 =	vsel vm8, $0x3100, v32;
	v33 =	vsel vm8, $0x3500, v33  }
0x40: {  	v34 =	vsel vm8, $0x3900, v34;
	v35 =	vsel vm8, $0x3D00, v35;
	v28 =	vsel vm7, $0x2180, v28  }
0x41: {  	v29 =	vsel vm7, $0x2580, v29;
	v30 =	vsel vm7, $0x2980, v30;
	v31 =	vsel vm7, $0x2D80, v31  }
0x42: {  	v32 =	vsel vm7, $0x3180, v32;
	v33 =	vsel vm7, $0x3580, v33;
	v34 =	vsel vm7, $0x3980, v34  }
0x43: {  	v35 =	vsel vm7, $0x3D80, v35;
	v28 =	vsel vm6, $0x4000, v28;
	v29 =	vsel vm6, $0x4400, v29  }
0x44: {  	v30 =	vsel vm6, $0x4800, v30;
	v31 =	vsel vm6, $0x4C00, v31;
	v32 =	vsel vm6, $0x5000, v32  }
0x45: {  	v33 =	vsel vm6, $0x5400, v33;
	v34 =	vsel vm6, $0x5800, v34;
	v35 =	vsel vm6, $0x5C00, v35  }
0x46: {  	v28 =	vsel vm5, $0x4080, v28;
	v29 =	vsel vm5, $0x4480, v29;
	v30 =	vsel vm5, $0x4880, v30  }
0x47: {  	v31 =	vsel vm5, $0x4C80, v31;
	v32 =	vsel vm5, $0x5080, v32;
	v33 =	vsel vm5, $0x5480, v33  }
0x48: {  	v34 =	vsel vm5, $0x5880, v34;
	v35 =	vsel vm5, $0x5C80, v35;
	v28 =	vsel vm4, $0x4100, v28  }
0x49: {  	v29 =	vsel vm4, $0x4500, v29;
	v30 =	vsel vm4, $0x4900, v30;
	v31 =	vsel vm4, $0x4D00, v31  }
0x4a: {  	v32 =	vsel vm4, $0x5100, v32;
	v33 =	vsel vm4, $0x5500, v33;
	v34 =	vsel vm4, $0x5900, v34  }
0x4b: {  	s5 =	rddreg [dreg:$0x0];
	v35 =	vsel vm4, $0x5D00, v35;
	v28 =	vsel vm3, $0x4180, v28;
	v29 =	vsel vm3, $0x4580, v29  }
0x4c: {  	s8 =	rddreg [dreg:$0x1];
	v30 =	vsel vm3, $0x4980, v30;
	v31 =	vsel vm3, $0x4D80, v31;
	v32 =	vsel vm3, $0x5180, v32  }
0x4d: {  	s4 =	simm.s32 $0x0;
	s13 =	simm.s32 $0xA400;
	s14 =	simm.s32 $0x1;
	v33 =	vsel vm3, $0x5580, v33;
	v34 =	vsel vm3, $0x5980, v34;
	v35 =	vsel vm3, $0x5D80, v35  }
0x4e: {  	s15 =	simm.s32 $0x2;
	s16 =	simm.s32 $0x0;
	s9 =	ssub.s32 $0x2, s6;
	v28 =	vsel vm2, $0x6000, v28;
	v29 =	vsel vm2, $0x6400, v29;
	v30 =	vsel vm2, $0x6800, v30  }
0x4f: {  	[smem:$0x7FF] =	sst s4;
	s30 =	sshll.u32 s0, $0x11;
	s11 =	sshrl.u32 s9, $0x1;
	v31 =	vsel vm2, $0x6C00, v31;
	v32 =	vsel vm2, $0x7000, v32;
	v33 =	vsel vm2, $0x7400, v33  }
0x50: {  	s12 =	sshll.u32 s6, $0x10;
	s9 =	ssub.s32 s9, s11;
	s29 =	sshll.u32 s1, $0xA;
	v34 =	vsel vm2, $0x7800, v34;
	v35 =	vsel vm2, $0x7C00, v35;
	v28 =	vsel vm1, $0x6080, v28  }
0x51: {  	s11 =	sadd.s32 s30, s8;
	s7 =	sshll.u32 s7, $0xA;
	s6 =	sadd.s32 s29, s8;
	v29 =	vsel vm1, $0x6480, v29;
	v30 =	vsel vm1, $0x6880, v30;
	v31 =	vsel vm1, $0x6C80, v31  }
0x52: {  	s31 =	sadd.s32 s12, s11;
	s11 =	simm.s32 $0x3;
	s12 =	simm.s32 $0x2400;
	v32 =	vsel vm1, $0x7080, v32;
	v33 =	vsel vm1, $0x7480, v33;
	v34 =	vsel vm1, $0x7880, v34  }
0x53: {  	s10 =	sshll.u32 s2, $0x4;
	s7 =	sadd.s32 s8, s7;
	s8 =	smax.u32 s9, $0x1;
	v35 =	vsel vm1, $0x7C80, v35;
	v28 =	vsel vm15, $0x6100, v28;
	v29 =	vsel vm15, $0x6500, v29  }
0x54: {  	s3 =	rddreg [dreg:$0x2];
	_ =	strace $0x80000047;
	s5 =	sadd.s32 s10, s5;
	v30 =	vsel vm15, $0x6900, v30;
	v31 =	vsel vm15, $0x6D00, v31;
	v32 =	vsel vm15, $0x7100, v32  }
0x55: {  	s9 =	sadd.s32 $0x3000, s6;
	s10 =	sadd.s32 $0x2000, s31;
	s5 =	sadd.s32 $0x400, s5;
	v33 =	vsel vm15, $0x7500, v33;
	v34 =	vsel vm15, $0x7900, v34;
	v35 =	vsel vm15, $0x7D00, v35  }
.LBB2_1:
0x56: {  	[tilespmem:s4], [sflag:$0x3] =	stream.linear.gather [hbm4b:s5+s4], $0x2400, $0x38;
	[tilespmem:$0x12400] =	vst v63  }
0x57: {  	s17 =	sand.u32 $0x70, s4;
	s18 =	sand.u32 $0x1E00, s4  }
0x58: {  	s17 =	sor.u32 s17, s18  }
0x59: {  	[tilespmem:s17+$0x8580] =	vst v7  }
0x5a: {  	[tilespmem:s17+$0x2400] =	vst v7  }
0x5b: {  	[tilespmem:s17+$0x2480] =	vst v7  }
0x5c: {  	[tilespmem:s17+$0x2500] =	vst v7  }
0x5d: {  	[tilespmem:s17+$0x2580] =	vst v7  }
0x5e: {  	[tilespmem:s17+$0x4400] =	vst v7  }
0x5f: {  	[tilespmem:s17+$0x4480] =	vst v7  }
0x60: {  	[tilespmem:s17+$0x4500] =	vst v7  }
0x61: {  	[tilespmem:s17+$0x4580] =	vst v7  }
0x62: {  	[tilespmem:s17+$0x6400] =	vst v7  }
0x63: {  	[tilespmem:s17+$0x6480] =	vst v7  }
0x64: {  	[tilespmem:s17+$0x6500] =	vst v7  }
0x65: {  	[tilespmem:s17+$0x6580] =	vst v7  }
0x66: {  	s19 =	simm.s32 $0x10;
	s18 =	simm.s32 $0x40;
	[tilespmem:s17+$0x8400] =	vst v7  }
0x67: {  	s20 =	sand.u32 $0x70, s19;
	s19 =	simm.s32 $0x20;
	s21 =	sand.u32 $0x1E00, s18;
	[tilespmem:s17+$0x8480] =	vst v7  }
.LBB2_2:
0x68: {  	p0 =	sne.s32 s19, $0x7F0;
	[tilespmem:s17+$0x8500] =	vst v7;
	s17 =	sor.u32 s20, s21  }
0x69: {  	[tilespmem:s17+$0x8580] =	vst v7  }
0x6a: {  	[tilespmem:s17+$0x2400] =	vst v7  }
0x6b: {  	[tilespmem:s17+$0x2480] =	vst v7  }
0x6c: {  	[tilespmem:s17+$0x2500] =	vst v7  }
0x6d: {  	[tilespmem:s17+$0x2580] =	vst v7  }
0x6e: {  	[tilespmem:s17+$0x4400] =	vst v7  }
0x6f: {  	[tilespmem:s17+$0x4480] =	vst v7  }
0x70: {  	[tilespmem:s17+$0x4500] =	vst v7  }
0x71: {  	[tilespmem:s17+$0x4580] =	vst v7  }
0x72: {  	[tilespmem:s17+$0x6400] =	vst v7  }
.Ltmp0:
0x73: {  	[tilespmem:s17+$0x6480] =	vst v7;
	(pc) =	sbr.rel @p0 .LBB2_2-.Ltmp0, $4  }
0x74: {  	[tilespmem:s17+$0x6500] =	vst v7  }
0x75: {  	[tilespmem:s17+$0x6580] =	vst v7  }
0x76: {  	s18 =	sadd.s32 $0x40, s18;
	[tilespmem:s17+$0x8400] =	vst v7  }
0x77: {  	s20 =	sand.u32 $0x70, s19;
	s19 =	sadd.s32 $0x10, s19;
	s21 =	sand.u32 $0x1E00, s18;
	[tilespmem:s17+$0x8480] =	vst v7  }
0x78: {  	s18 =	sor.u32 s20, s21;
	[tilespmem:s17+$0x8500] =	vst v7  }
0x79: {  	[tilespmem:s18+$0x8580] =	vst v7  }
0x7a: {  	[tilespmem:s18+$0x2400] =	vst v7  }
0x7b: {  	[tilespmem:s18+$0x2480] =	vst v7  }
0x7c: {  	[tilespmem:s18+$0x2500] =	vst v7  }
0x7d: {  	[tilespmem:s18+$0x2580] =	vst v7  }
0x7e: {  	[tilespmem:s18+$0x4400] =	vst v7  }
0x7f: {  	[tilespmem:s18+$0x4480] =	vst v7  }
0x80: {  	[tilespmem:s18+$0x4500] =	vst v7  }
0x81: {  	[tilespmem:s18+$0x4580] =	vst v7  }
0x82: {  	[tilespmem:s18+$0x6400] =	vst v7  }
0x83: {  	[tilespmem:s18+$0x6480] =	vst v7  }
0x84: {  	[tilespmem:s18+$0x6500] =	vst v7  }
0x85: {  	[tilespmem:s18+$0x6580] =	vst v7  }
0x86: {  	[tilespmem:s18+$0x8400] =	vst v7  }
0x87: {  	[tilespmem:s18+$0x8480] =	vst v7  }
0x88: {  	[tilespmem:s18+$0x8500] =	vst v7  }
0x89: {  	_ =	swait.ge [sflag:s11], $0x2400  }
0x8a: {  	[sflag:s11] =	ssyncset.done $0x0  }
0x8b: {  	s30 =	simm.s32 $0x0;
	[sflag:s11] =	ssyncadd.s32 $0xFFFFDC00  }
0x8c: {  	v36 =	vld.idx.msk [tilespmem:v3+s30+$0x0], $0xffff  }
0x8d: {  	v37 =	vld.idx.msk [tilespmem:v5+s30+$0x0], $0xffff  }
0x8e: {  	v38 =	vld.idx.msk [tilespmem:v8+s30+$0x0], $0xffff  }
0x8f: {  	v39 =	vld.idx.msk [tilespmem:v10+s30+$0x0], $0xffff  }
0x90: {  	v41 =	vld.idx.msk [tilespmem:v12+s30+$0x0], $0xffff  }
0x91: {  	v43 =	vld.idx.msk [tilespmem:v14+s30+$0x0], $0xffff  }
0x92: {  	v44 =	vld.idx.msk [tilespmem:v16+s30+$0x0], $0xffff  }
0x93: {  	v56 =	vld.idx.msk [tilespmem:v18+s30+$0x0], $0xffff;
	v40 =	vshll.u32 v36, $0x2  }
0x94: {  	v36 =	vand.u32 $0x7F, v36;
	v42 =	vshll.u32 v37, $0x2;
	v37 =	vand.u32 $0x7F, v37  }
0x95: {  	v53 =	vshll.u32 v38, $0x2;
	v38 =	vand.u32 $0x7F, v38;
	v54 =	vshll.u32 v39, $0x2  }
0x96: {  	v39 =	vand.u32 $0x7F, v39;
	v57 =	vand.u32 $0x7F, v41;
	v41 =	vshll.u32 v41, $0x2  }
0x97: {  	v45 =	vshll.u32 v43, $0x2;
	v43 =	vand.u32 $0x7F, v43;
	v59 =	vshll.u32 v44, $0x2  }
0x98: {  	v44 =	vand.u32 $0x7F, v44;
	v60 =	vshll.u32 v56, $0x2;
	v40 =	vand.u32 $0xFFFFFE00, v40  }
0x99: {  	v52 =	vand.u32 $0xFFFFFE00, v42;
	v55 =	vand.u32 $0xFFFFFE00, v54;
	v36 =	vor.u32 v36, v40  }
0x9a: {  	v37 =	vor.u32 v37, v52;
	v40 =	vand.u32 $0xFFFFFE00, v53;
	v36 =	vadd.s32 v28, v36  }
0x9b: {  	v41 =	vand.u32 $0xFFFFFE00, v41;
	v38 =	vor.u32 v38, v40;
	v37 =	vadd.s32 v29, v37  }
0x9c: {  	v45 =	vand.u32 $0xFFFFFE00, v45;
	v39 =	vor.u32 v39, v55;
	v38 =	vadd.s32 v30, v38  }
0x9d: {  	v42 =	vand.u32 $0x7F, v56;
	v39 =	vadd.s32 v31, v39;
	v40 =	vor.u32 v57, v41  }
0x9e: {  	v58 =	vor.u32 v43, v45;
	v43 =	vand.u32 $0xFFFFFE00, v59;
	v40 =	vadd.s32 v32, v40  }
0x9f: {  	v62 =	vand.u32 $0xFFFFFE00, v60;
	v41 =	vadd.s32 v33, v58;
	v61 =	vor.u32 v44, v43;
	[tilespmem:v36+s12+$0x0] =	vst.idx.msk $0xffff, v4  }
0xa0: {  	v63 =	vor.u32 v42, v62;
	v36 =	vadd.s32 v34, v61;
	[tilespmem:v37+s12+$0x0] =	vst.idx.msk $0xffff, v6  }
0xa1: {  	v37 =	vadd.s32 v35, v63;
	[tilespmem:v38+s12+$0x0] =	vst.idx.msk $0xffff, v9  }
0xa2: {  	[tilespmem:v39+s12+$0x0] =	vst.idx.msk $0xffff, v11  }
0xa3: {  	[tilespmem:v40+s12+$0x0] =	vst.idx.msk $0xffff, v13  }
0xa4: {  	[tilespmem:v41+s12+$0x0] =	vst.idx.msk $0xffff, v15  }
0xa5: {  	s31 =	sand.u32 $0x70, s30;
	s17 =	sand.u32 $0x1E00, s30;
	[tilespmem:v36+s12+$0x0] =	vst.idx.msk $0xffff, v17  }
0xa6: {  	s17 =	sor.u32 s31, s17;
	[tilespmem:v37+s12+$0x0] =	vst.idx.msk $0xffff, v19  }
0xa7: {  	[hbm4b:s6+s30] =	stream.linear.scatter [tilespmem:s12], [sflag:$0x1], $0x8000, $0x38;
	[tilespmem:$0x12400] =	vst v63  }
0xa8: {  	[tilespmem:s17+$0x10580] =	vst v7  }
0xa9: {  	[tilespmem:s17+$0xA400] =	vst v7  }
0xaa: {  	[tilespmem:s17+$0xA480] =	vst v7  }
0xab: {  	[tilespmem:s17+$0xA500] =	vst v7  }
0xac: {  	[tilespmem:s17+$0xA580] =	vst v7  }
0xad: {  	[tilespmem:s17+$0xC400] =	vst v7  }
0xae: {  	[tilespmem:s17+$0xC480] =	vst v7  }
0xaf: {  	[tilespmem:s17+$0xC500] =	vst v7  }
0xb0: {  	[tilespmem:s17+$0xC580] =	vst v7  }
0xb1: {  	[tilespmem:s17+$0xE400] =	vst v7  }
0xb2: {  	[tilespmem:s17+$0xE480] =	vst v7  }
0xb3: {  	[tilespmem:s17+$0xE500] =	vst v7  }
0xb4: {  	[tilespmem:s17+$0xE580] =	vst v7  }
0xb5: {  	s19 =	simm.s32 $0x10;
	s18 =	simm.s32 $0x40;
	[tilespmem:s17+$0x10400] =	vst v7  }
0xb6: {  	s20 =	sand.u32 $0x70, s19;
	s19 =	simm.s32 $0x20;
	s21 =	sand.u32 $0x1E00, s18;
	[tilespmem:s17+$0x10480] =	vst v7  }
.LBB2_4:
0xb7: {  	p0 =	sne.s32 s19, $0x7F0;
	[tilespmem:s17+$0x10500] =	vst v7;
	s17 =	sor.u32 s20, s21  }
0xb8: {  	[tilespmem:s17+$0x10580] =	vst v7  }
0xb9: {  	[tilespmem:s17+$0xA400] =	vst v7  }
0xba: {  	[tilespmem:s17+$0xA480] =	vst v7  }
0xbb: {  	[tilespmem:s17+$0xA500] =	vst v7  }
0xbc: {  	[tilespmem:s17+$0xA580] =	vst v7  }
0xbd: {  	[tilespmem:s17+$0xC400] =	vst v7  }
0xbe: {  	[tilespmem:s17+$0xC480] =	vst v7  }
0xbf: {  	[tilespmem:s17+$0xC500] =	vst v7  }
0xc0: {  	[tilespmem:s17+$0xC580] =	vst v7  }
0xc1: {  	[tilespmem:s17+$0xE400] =	vst v7  }
.Ltmp1:
0xc2: {  	[tilespmem:s17+$0xE480] =	vst v7;
	(pc) =	sbr.rel @p0 .LBB2_4-.Ltmp1, $4  }
0xc3: {  	[tilespmem:s17+$0xE500] =	vst v7  }
0xc4: {  	[tilespmem:s17+$0xE580] =	vst v7  }
0xc5: {  	s18 =	sadd.s32 $0x40, s18;
	[tilespmem:s17+$0x10400] =	vst v7  }
0xc6: {  	s20 =	sand.u32 $0x70, s19;
	s19 =	sadd.s32 $0x10, s19;
	s21 =	sand.u32 $0x1E00, s18;
	[tilespmem:s17+$0x10480] =	vst v7  }
0xc7: {  	s18 =	sor.u32 s20, s21;
	[tilespmem:s17+$0x10500] =	vst v7  }
0xc8: {  	[tilespmem:s18+$0x10580] =	vst v7  }
0xc9: {  	[tilespmem:s18+$0xA400] =	vst v7  }
0xca: {  	[tilespmem:s18+$0xA480] =	vst v7  }
0xcb: {  	[tilespmem:s18+$0xA500] =	vst v7  }
0xcc: {  	[tilespmem:s18+$0xA580] =	vst v7  }
0xcd: {  	[tilespmem:s18+$0xC400] =	vst v7  }
0xce: {  	[tilespmem:s18+$0xC480] =	vst v7  }
0xcf: {  	[tilespmem:s18+$0xC500] =	vst v7  }
0xd0: {  	[tilespmem:s18+$0xC580] =	vst v7  }
0xd1: {  	[tilespmem:s18+$0xE400] =	vst v7  }
0xd2: {  	[tilespmem:s18+$0xE480] =	vst v7  }
0xd3: {  	[tilespmem:s18+$0xE500] =	vst v7  }
0xd4: {  	[tilespmem:s18+$0xE580] =	vst v7  }
0xd5: {  	[tilespmem:s18+$0x10400] =	vst v7  }
0xd6: {  	[tilespmem:s18+$0x10480] =	vst v7  }
0xd7: {  	s17 =	simm.s32 $0x0;
	[tilespmem:s18+$0x10500] =	vst v7  }
0xd8: {  	v36 =	vld.idx.msk [tilespmem:v20+s17+$0x0], $0xffff  }
0xd9: {  	v37 =	vld.idx.msk [tilespmem:v21+s17+$0x0], $0xffff  }
0xda: {  	v38 =	vld.idx.msk [tilespmem:v22+s17+$0x0], $0xffff  }
0xdb: {  	v39 =	vld.idx.msk [tilespmem:v27+s17+$0x0], $0xffff  }
0xdc: {  	v41 =	vld.idx.msk [tilespmem:v3+s17+$0x0], $0xffff  }
0xdd: {  	v43 =	vld.idx.msk [tilespmem:v5+s17+$0x0], $0xffff  }
0xde: {  	v44 =	vld.idx.msk [tilespmem:v8+s17+$0x0], $0xffff  }
0xdf: {  	v56 =	vld.idx.msk [tilespmem:v10+s17+$0x0], $0xffff;
	v40 =	vshll.u32 v36, $0x2  }
0xe0: {  	v36 =	vand.u32 $0x7F, v36;
	v42 =	vshll.u32 v37, $0x2;
	v37 =	vand.u32 $0x7F, v37  }
0xe1: {  	v53 =	vshll.u32 v38, $0x2;
	v38 =	vand.u32 $0x7F, v38;
	v54 =	vshll.u32 v39, $0x2  }
0xe2: {  	v39 =	vand.u32 $0x7F, v39;
	v57 =	vand.u32 $0x7F, v41;
	v41 =	vshll.u32 v41, $0x2  }
0xe3: {  	v45 =	vshll.u32 v43, $0x2;
	v43 =	vand.u32 $0x7F, v43;
	v59 =	vshll.u32 v44, $0x2  }
0xe4: {  	v44 =	vand.u32 $0x7F, v44;
	v60 =	vshll.u32 v56, $0x2;
	v40 =	vand.u32 $0xFFFFFE00, v40  }
0xe5: {  	v52 =	vand.u32 $0xFFFFFE00, v42;
	v55 =	vand.u32 $0xFFFFFE00, v54;
	v36 =	vor.u32 v36, v40  }
0xe6: {  	v37 =	vor.u32 v37, v52;
	v40 =	vand.u32 $0xFFFFFE00, v53;
	v36 =	vadd.s32 v28, v36  }
0xe7: {  	v41 =	vand.u32 $0xFFFFFE00, v41;
	v38 =	vor.u32 v38, v40;
	v37 =	vadd.s32 v29, v37  }
0xe8: {  	v45 =	vand.u32 $0xFFFFFE00, v45;
	v39 =	vor.u32 v39, v55;
	v38 =	vadd.s32 v30, v38  }
0xe9: {  	v42 =	vand.u32 $0x7F, v56;
	v39 =	vadd.s32 v31, v39;
	v40 =	vor.u32 v57, v41  }
0xea: {  	v58 =	vor.u32 v43, v45;
	v43 =	vand.u32 $0xFFFFFE00, v59;
	v40 =	vadd.s32 v32, v40  }
0xeb: {  	v62 =	vand.u32 $0xFFFFFE00, v60;
	v41 =	vadd.s32 v33, v58;
	v61 =	vor.u32 v44, v43;
	[tilespmem:v36+s13+$0x0] =	vst.idx.msk $0xffff, v4  }
0xec: {  	v63 =	vor.u32 v42, v62;
	v36 =	vadd.s32 v34, v61;
	[tilespmem:v37+s13+$0x0] =	vst.idx.msk $0xffff, v4  }
0xed: {  	v37 =	vadd.s32 v35, v63;
	[tilespmem:v38+s13+$0x0] =	vst.idx.msk $0xffff, v4  }
0xee: {  	[tilespmem:v39+s13+$0x0] =	vst.idx.msk $0xffff, v4  }
0xef: {  	[tilespmem:v40+s13+$0x0] =	vst.idx.msk $0xffff, v4  }
0xf0: {  	[tilespmem:v41+s13+$0x0] =	vst.idx.msk $0xffff, v24  }
0xf1: {  	[tilespmem:v36+s13+$0x0] =	vst.idx.msk $0xffff, v25  }
0xf2: {  	s19 =	smov.u32 s9;
	s18 =	smov.u32 s10;
	[tilespmem:v37+s13+$0x0] =	vst.idx.msk $0xffff, v26  }
0xf3: {  	[hbm4b:s7+s17] =	stream.linear.scatter [tilespmem:s13], [sflag:$0x2], $0x8000, $0x38;
	[tilespmem:$0x12400] =	vst v63  }
.LBB2_6:
0xf4: {  	s21 =	sadd.s32 s17, s1  }
0xf5: {  	s20 =	ssub.s32 s21, s2  }
0xf6: {  	v36 =	vadd.s32 s20, v0;
	s22 =	sadd.s32 $0xFFFFFFFF, s20;
	s23 =	sadd.s32 $0xFFFFFFFE, s20  }
0xf7: {  	s24 =	sadd.s32 $0xFFFFFFFD, s20;
	s25 =	sadd.s32 $0xFFFFFFFC, s20;
	s26 =	sadd.s32 $0xFFFFFFFB, s20;
	vm0 =	vgt.s32 v36, $0x0;
	v37 =	vadd.s32 s22, v0;
	v57 =	vadd.s32 s23, v0  }
0xf8: {  	s28 =	sadd.s32 $0xFFFFFFFA, s20;
	v39 =	vadd.s32 s24, v0;
	v40 =	vadd.s32 s25, v0;
	v59 =	vadd.s32 s26, v0  }
0xf9: {  	v44 =	vadd.s32 s28, v0;
	v36 =	vnsel vm0, $0x0, v36;
	vm13 =	vgt.s32 v37, $0x0  }
0xfa: {  	s23 =	sadd.s32 $0xFFFFFFF9, s20;
	vm14 =	vgt.s32 v57, $0x0;
	vm15 =	vgt.s32 v39, $0x0;
	vm4 =	vgt.s32 v40, $0x0  }
0xfb: {  	vm5 =	vgt.s32 v59, $0x0;
	v45 =	vadd.s32 s23, v0;
	vm6 =	vgt.s32 v44, $0x0  }
0xfc: {  	v36 =	vshll.u32 v36, $0x7;
	v37 =	vnsel vm13, $0x0, v37;
	v41 =	vnsel vm15, $0x0, v39  }
0xfd: {  	v40 =	vnsel vm4, $0x0, v40;
	v38 =	vor.u32 v2, v36;
	v56 =	vshll.u32 v37, $0x7  }
0xfe: {  	v44 =	vnsel vm6, $0x0, v44;
	v40 =	vshll.u32 v40, $0x7;
	v36 =	vor.u32 v2, v56  }
0xff: {  	_ =	swait.ge [sflag:s14], $0x8000;
	v37 =	vnsel vm14, $0x0, v57;
	v44 =	vshll.u32 v44, $0x7;
	v40 =	vor.u32 v2, v40  }
0x100: {  	[sflag:s14] =	ssyncset.done $0x0;
	vm1 =	vgt.s32 v45, $0x0;
	v37 =	vshll.u32 v37, $0x7;
	v44 =	vor.u32 v2, v44  }
0x101: {  	[sflag:s14] =	ssyncadd.s32 $0xFFFF8000;
	v58 =	vshll.u32 v41, $0x7;
	v41 =	vnsel vm5, $0x0, v59;
	v39 =	vor.u32 v2, v37  }
0x102: {  	v45 =	vnsel vm1, $0x0, v45;
	v41 =	vshll.u32 v41, $0x7;
	v37 =	vor.u32 v2, v58;
	v42 =	vld.idx.msk [tilespmem:v38+s4+$0x0], $0xffff  }
0x103: {  	v45 =	vshll.u32 v45, $0x7;
	v41 =	vor.u32 v2, v41;
	v43 =	vld.idx.msk [tilespmem:v36+s4+$0x0], $0xffff  }
0x104: {  	v45 =	vor.u32 v2, v45;
	v40 =	vld.idx.msk [tilespmem:v40+s4+$0x0], $0xffff  }
0x105: {  	v44 =	vld.idx.msk [tilespmem:v44+s4+$0x0], $0xffff  }
0x106: {  	v46 =	vld.idx.msk [tilespmem:v39+s4+$0x0], $0xffff  }
0x107: {  	v47 =	vld.idx.msk [tilespmem:v37+s4+$0x0], $0xffff;
	v48 =	vshll.u32 v42, $0x2  }
0x108: {  	v41 =	vld.idx.msk [tilespmem:v41+s4+$0x0], $0xffff;
	v42 =	vand.u32 $0x7F, v42;
	v48 =	vand.u32 $0xFFFFFE00, v48  }
0x109: {  	v45 =	vld.idx.msk [tilespmem:v45+s4+$0x0], $0xffff;
	v49 =	vshll.u32 v43, $0x2;
	v43 =	vand.u32 $0x7F, v43;
	v63 =	vshll.u32 v40, $0x2  }
0x10a: {  	v40 =	vand.u32 $0x7F, v40;
	v54 =	vshll.u32 v44, $0x2;
	v56 =	vand.u32 $0x7F, v44  }
0x10b: {  	v42 =	vor.u32 v42, v48;
	v60 =	vand.u32 $0xFFFFFE00, v49;
	v61 =	vand.u32 $0x7F, v46  }
0x10c: {  	v46 =	vshll.u32 v46, $0x2;
	v62 =	vshll.u32 v47, $0x2;
	v47 =	vand.u32 $0x7F, v47  }
0x10d: {  	v48 =	vand.u32 $0xFFFFFE00, v63;
	v52 =	vshll.u32 v41, $0x2;
	v41 =	vand.u32 $0x7F, v41  }
0x10e: {  	s30 =	sadd.s32 $0x6, s20;
	v57 =	vand.u32 $0xFFFFFE00, v54;
	v58 =	vshll.u32 v45, $0x2;
	v45 =	vand.u32 $0x7F, v45  }
0x10f: {  	v63 =	vadd.s32 s30, v0;
	v42 =	vadd.s32 v28, v42;
	v43 =	vor.u32 v43, v60  }
0x110: {  	s22 =	sadd.s32 $0x8, s21;
	v46 =	vand.u32 $0xFFFFFE00, v46;
	v49 =	vand.u32 $0xFFFFFE00, v62;
	v40 =	vor.u32 v40, v48  }
0x111: {  	s29 =	sadd.s32 $0x7, s20;
	v53 =	vand.u32 $0xFFFFFE00, v52;
	v48 =	vor.u32 s22, v0;
	v44 =	vand.u32 $0xFFFFFE00, v58  }
0x112: {  	v62 =	vadd.s32 s29, v0;
	vm9 =	vgt.s32 v63, $0x0;
	v43 =	vadd.s32 v29, v43  }
0x113: {  	v46 =	vor.u32 v61, v46;
	v47 =	vor.u32 v47, v49;
	v40 =	vadd.s32 v32, v40  }
0x114: {  	v41 =	vor.u32 v41, v53;
	v50 =	vsub.s32 v48, v1;
	v46 =	vadd.s32 v30, v46  }
0x115: {  	s31 =	sadd.s32 $0x5, s20;
	v59 =	vor.u32 v45, v44;
	vm8 =	vgt.s32 v62, $0x0;
	v47 =	vadd.s32 v31, v47  }
0x116: {  	v53 =	vadd.s32 s31, v0;
	v55 =	vadd.s32 v33, v41;
	v41 =	vor.u32 v56, v57  }
0x117: {  	vm7 =	vgt.s32 v50, $0x0;
	v60 =	vadd.s32 v35, v59;
	v52 =	vnsel vm8, $0x0, v62;
	[tilespmem:v42+s12+$0x0] =	vst.idx.msk $0xffff, v7  }
0x118: {  	s24 =	sadd.s32 $0x4, s20;
	s26 =	sadd.s32 $0x2, s20;
	vm10 =	vgt.s32 v53, $0x0;
	v51 =	vadd.s32 v34, v41;
	v61 =	vnsel vm7, $0x0, v50;
	[tilespmem:v43+s12+$0x0] =	vst.idx.msk $0xffff, v7  }
0x119: {  	v56 =	vadd.s32 s24, v0;
	v41 =	vshll.u32 v61, $0x7;
	v61 =	vadd.s32 s26, v0;
	[tilespmem:v46+s12+$0x0] =	vst.idx.msk $0xffff, v7  }
0x11a: {  	v50 =	vor.u32 v2, v41;
	v41 =	vshll.u32 v52, $0x7;
	v43 =	vnsel vm9, $0x0, v63;
	[tilespmem:v47+s12+$0x0] =	vst.idx.msk $0xffff, v7  }
0x11b: {  	s25 =	sadd.s32 $0x3, s20;
	vm13 =	vgt.s32 v61, $0x0;
	v41 =	vor.u32 v2, v41;
	v54 =	vshll.u32 v43, $0x7;
	[tilespmem:v40+s12+$0x0] =	vst.idx.msk $0xffff, v7  }
0x11c: {  	s28 =	sadd.s32 $0x1, s20;
	v57 =	vadd.s32 s25, v0;
	v46 =	vnsel vm13, $0x0, v61;
	v40 =	vor.u32 v2, v54;
	[tilespmem:v55+s12+$0x0] =	vst.idx.msk $0xffff, v7  }
0x11d: {  	v62 =	vadd.s32 s28, v0;
	vm11 =	vgt.s32 v56, $0x0;
	v46 =	vshll.u32 v46, $0x7;
	[tilespmem:v51+s12+$0x0] =	vst.idx.msk $0xffff, v7  }
0x11e: {  	vm12 =	vgt.s32 v57, $0x0;
	v46 =	vor.u32 v2, v46;
	v55 =	vnsel vm10, $0x0, v53;
	[tilespmem:v60+s12+$0x0] =	vst.idx.msk $0xffff, v7  }
0x11f: {  	vm14 =	vgt.s32 v62, $0x0;
	v58 =	vnsel vm11, $0x0, v56;
	v43 =	vshll.u32 v55, $0x7;
	v59 =	vld.idx.msk [tilespmem:v50+s4+$0x0], $0xffff  }
0x120: {  	v42 =	vor.u32 v2, v43;
	v43 =	vshll.u32 v58, $0x7;
	v60 =	vnsel vm12, $0x0, v57;
	v47 =	vld.idx.msk [tilespmem:v41+s4+$0x0], $0xffff  }
0x121: {  	v49 =	vnsel vm14, $0x0, v62;
	v43 =	vor.u32 v2, v43;
	v45 =	vshll.u32 v60, $0x7;
	v63 =	vld.idx.msk [tilespmem:v40+s4+$0x0], $0xffff  }
0x122: {  	v49 =	vshll.u32 v49, $0x7;
	v45 =	vor.u32 v2, v45  }
0x123: {  	v49 =	vor.u32 v2, v49;
	v57 =	vld.idx.msk [tilespmem:v46+s4+$0x0], $0xffff  }
0x124: {  	vm15 =	vgt.u32 v48, $0x1;
	vm4 =	vgt.u32 v48, $0x2;
	v53 =	vshll.u32 v59, $0x2  }
0x125: {  	v52 =	vld.idx.msk [tilespmem:v42+s4+$0x0], $0xffff;
	v44 =	vand.u32 $0x7F, v59;
	v55 =	vshll.u32 v47, $0x2;
	v47 =	vand.u32 $0x7F, v47  }
0x126: {  	v54 =	vld.idx.msk [tilespmem:v43+s4+$0x0], $0xffff;
	v53 =	vand.u32 $0xFFFFFE00, v53;
	v59 =	vand.u32 $0xFFFFFE00, v55;
	v60 =	vshll.u32 v63, $0x2  }
0x127: {  	v56 =	vld.idx.msk [tilespmem:v45+s4+$0x0], $0xffff;
	v50 =	vand.u32 $0x7F, v63;
	v44 =	vor.u32 v44, v53;
	v47 =	vor.u32 v47, v59  }
0x128: {  	v55 =	vld.idx.msk [tilespmem:v49+s4+$0x0], $0xffff;
	v53 =	vand.u32 $0xFFFFFE00, v60;
	v60 =	vshll.u32 v57, $0x2;
	v57 =	vand.u32 $0x7F, v57  }
0x129: {  	v44 =	vadd.s32 v28, v44;
	v50 =	vor.u32 v50, v53;
	v47 =	vadd.s32 v29, v47  }
0x12a: {  	v61 =	vshll.u32 v52, $0x2;
	v52 =	vand.u32 $0x7F, v52;
	v50 =	vadd.s32 v30, v50  }
0x12b: {  	v62 =	vand.u32 $0xFFFFFE00, v61;
	v63 =	vand.u32 $0x7F, v54;
	v54 =	vshll.u32 v54, $0x2  }
0x12c: {  	v52 =	vor.u32 v52, v62;
	v58 =	vshll.u32 v56, $0x2;
	v54 =	vand.u32 $0xFFFFFE00, v54  }
0x12d: {  	v56 =	vand.u32 $0x7F, v56;
	v61 =	vshll.u32 v55, $0x2;
	v55 =	vand.u32 $0x7F, v55  }
0x12e: {  	v58 =	vand.u32 $0xFFFFFE00, v58;
	v52 =	vadd.s32 v31, v52;
	v53 =	vor.u32 v63, v54  }
0x12f: {  	v59 =	vor.u32 v56, v58;
	v53 =	vadd.s32 v32, v53;
	v56 =	vand.u32 $0xFFFFFE00, v60  }
0x130: {  	v63 =	vand.u32 $0xFFFFFE00, v61;
	[tilespmem:v44+s12+$0x0] =	vst.idx.msk $0xffff, v4;
	v54 =	vadd.s32 v33, v59;
	v62 =	vor.u32 v57, v56  }
0x131: {  	v51 =	vsel vm15, $0x3F800000, v7;
	[tilespmem:v47+s12+$0x0] =	vst.idx.msk $0xffff, v4;
	v57 =	vor.u32 v55, v63;
	v44 =	vadd.s32 v34, v62  }
0x132: {  	v58 =	vsel vm4, $0x3F800000, v7;
	[tilespmem:v50+s12+$0x0] =	vst.idx.msk $0xffff, v51;
	v47 =	vadd.s32 v35, v57  }
0x133: {  	vm5 =	vgt.u32 v48, $0x4;
	[tilespmem:v52+s12+$0x0] =	vst.idx.msk $0xffff, v58  }
0x134: {  	vm6 =	vgt.u32 v48, $0x5;
	v59 =	vsel vm5, $0x3F800000, v7;
	[tilespmem:v53+s12+$0x0] =	vst.idx.msk $0xffff, v4  }
0x135: {  	vm7 =	vgt.u32 v48, $0x6;
	v60 =	vsel vm6, $0x3F800000, v7;
	[tilespmem:v54+s12+$0x0] =	vst.idx.msk $0xffff, v59  }
0x136: {  	v48 =	vsel vm7, $0x3F800000, v7;
	[tilespmem:v44+s12+$0x0] =	vst.idx.msk $0xffff, v60  }
0x137: {  	[tilespmem:v47+s12+$0x0] =	vst.idx.msk $0xffff, v48  }
0x138: {  	[hbm4b:s18+s4] =	stream.linear.scatter [tilespmem:s12], [sflag:$0x1], $0x8000, $0x38;
	[tilespmem:$0x12400] =	vst v63  }
0x139: {  	_ =	swait.ge [sflag:s15], $0x8000  }
0x13a: {  	[sflag:s15] =	ssyncset.done $0x0  }
0x13b: {  	[sflag:s15] =	ssyncadd.s32 $0xFFFF8000  }
0x13c: {  	v43 =	vld.idx.msk [tilespmem:v43+s4+$0x0], $0xffff  }
0x13d: {  	v61 =	vld.idx.msk [tilespmem:v45+s4+$0x0], $0xffff  }
0x13e: {  	v62 =	vld.idx.msk [tilespmem:v46+s4+$0x0], $0xffff  }
0x13f: {  	v63 =	vld.idx.msk [tilespmem:v49+s4+$0x0], $0xffff  }
0x140: {  	v38 =	vld.idx.msk [tilespmem:v38+s4+$0x0], $0xffff  }
0x141: {  	v36 =	vld.idx.msk [tilespmem:v36+s4+$0x0], $0xffff  }
0x142: {  	v39 =	vld.idx.msk [tilespmem:v39+s4+$0x0], $0xffff  }
0x143: {  	v37 =	vld.idx.msk [tilespmem:v37+s4+$0x0], $0xffff;
	v51 =	vshll.u32 v43, $0x2;
	v43 =	vand.u32 $0x7F, v43  }
0x144: {  	v52 =	vshll.u32 v61, $0x2;
	v44 =	vand.u32 $0x7F, v61;
	v53 =	vshll.u32 v62, $0x2  }
0x145: {  	v45 =	vand.u32 $0x7F, v62;
	v55 =	vand.u32 $0x7F, v63;
	v46 =	vshll.u32 v63, $0x2  }
0x146: {  	v56 =	vshll.u32 v38, $0x2;
	v38 =	vand.u32 $0x7F, v38;
	v57 =	vshll.u32 v36, $0x2  }
0x147: {  	s29 =	sadd.s32 $0xB, s20;
	v36 =	vand.u32 $0x7F, v36;
	v58 =	vshll.u32 v39, $0x2;
	v39 =	vand.u32 $0x7F, v39  }
0x148: {  	v60 =	vshll.u32 v37, $0x2;
	v37 =	vand.u32 $0x7F, v37;
	v63 =	vadd.s32 s29, v0  }
0x149: {  	v47 =	vand.u32 $0xFFFFFE00, v51;
	v54 =	vand.u32 $0xFFFFFE00, v53;
	v46 =	vand.u32 $0xFFFFFE00, v46  }
0x14a: {  	s30 =	sadd.s32 $0xA, s20;
	s20 =	sadd.s32 $0x9, s20;
	v48 =	vand.u32 $0xFFFFFE00, v56;
	v59 =	vand.u32 $0xFFFFFE00, v58;
	vm9 =	vgt.s32 v63, $0x0  }
0x14b: {  	v53 =	vadd.s32 s20, v0;
	v43 =	vor.u32 v43, v47;
	v47 =	vand.u32 $0xFFFFFE00, v52  }
0x14c: {  	v45 =	vor.u32 v45, v54;
	v44 =	vor.u32 v44, v47;
	v43 =	vadd.s32 v28, v43  }
0x14d: {  	v46 =	vor.u32 v55, v46;
	v38 =	vor.u32 v38, v48;
	v44 =	vadd.s32 v29, v44  }
0x14e: {  	s21 =	sadd.s32 $0xC, s21;
	v39 =	vor.u32 v39, v59;
	v45 =	vadd.s32 v30, v45;
	v47 =	vand.u32 $0xFFFFFE00, v57  }
0x14f: {  	v46 =	vadd.s32 v31, v46;
	v36 =	vor.u32 v36, v47;
	v47 =	vor.u32 s21, v0  }
0x150: {  	v48 =	vand.u32 $0xFFFFFE00, v60;
	v38 =	vadd.s32 v32, v38;
	v61 =	vsub.s32 v47, v1  }
0x151: {  	v51 =	vnsel vm9, $0x0, v63;
	v36 =	vadd.s32 v33, v36;
	vm8 =	vgt.s32 v61, $0x0;
	[tilespmem:v43+s13+$0x0] =	vst.idx.msk $0xffff, v7  }
0x152: {  	v39 =	vadd.s32 v34, v39;
	v37 =	vor.u32 v37, v48;
	v62 =	vnsel vm8, $0x0, v61;
	[tilespmem:v44+s13+$0x0] =	vst.idx.msk $0xffff, v7  }
0x153: {  	vm11 =	vgt.s32 v53, $0x0;
	v37 =	vadd.s32 v35, v37;
	v43 =	vshll.u32 v62, $0x7;
	[tilespmem:v45+s13+$0x0] =	vst.idx.msk $0xffff, v7  }
0x154: {  	v57 =	vnsel vm11, $0x0, v53;
	v43 =	vor.u32 v2, v43;
	v44 =	vshll.u32 v51, $0x7;
	[tilespmem:v46+s13+$0x0] =	vst.idx.msk $0xffff, v7  }
0x155: {  	v59 =	vshll.u32 v57, $0x7;
	v54 =	vor.u32 v2, v44;
	[tilespmem:v38+s13+$0x0] =	vst.idx.msk $0xffff, v7  }
0x156: {  	v60 =	vor.u32 v2, v59;
	[tilespmem:v36+s13+$0x0] =	vst.idx.msk $0xffff, v7  }
0x157: {  	v52 =	vadd.s32 s30, v0;
	[tilespmem:v39+s13+$0x0] =	vst.idx.msk $0xffff, v7  }
0x158: {  	s31 =	ssub.s32 s22, s2;
	vm10 =	vgt.s32 v52, $0x0;
	[tilespmem:v37+s13+$0x0] =	vst.idx.msk $0xffff, v7  }
0x159: {  	v58 =	vadd.s32 s31, v0;
	v55 =	vnsel vm10, $0x0, v52;
	v43 =	vld.idx.msk [tilespmem:v43+s4+$0x0], $0xffff  }
0x15a: {  	vm12 =	vgt.s32 v58, $0x0;
	v56 =	vshll.u32 v55, $0x7;
	v38 =	vld.idx.msk [tilespmem:v54+s4+$0x0], $0xffff  }
0x15b: {  	v61 =	vnsel vm12, $0x0, v58;
	v36 =	vor.u32 v2, v56;
	v37 =	vld.idx.msk [tilespmem:v60+s4+$0x0], $0xffff  }
0x15c: {  	v39 =	vshll.u32 v61, $0x7;
	v41 =	vld.idx.msk [tilespmem:v41+s4+$0x0], $0xffff  }
0x15d: {  	v39 =	vor.u32 v2, v39;
	v40 =	vld.idx.msk [tilespmem:v40+s4+$0x0], $0xffff  }
0x15e: {  	v42 =	vld.idx.msk [tilespmem:v42+s4+$0x0], $0xffff  }
0x15f: {  	v62 =	vshll.u32 v43, $0x2  }
0x160: {  	v36 =	vld.idx.msk [tilespmem:v36+s4+$0x0], $0xffff;
	v43 =	vand.u32 $0x7F, v43;
	v63 =	vshll.u32 v38, $0x2;
	v38 =	vand.u32 $0x7F, v38  }
0x161: {  	v50 =	vshll.u32 v37, $0x2;
	v37 =	vand.u32 $0x7F, v37;
	v53 =	vshll.u32 v41, $0x2  }
0x162: {  	v39 =	vld.idx.msk [tilespmem:v39+s4+$0x0], $0xffff;
	v41 =	vand.u32 $0x7F, v41;
	v54 =	vshll.u32 v40, $0x2;
	v40 =	vand.u32 $0x7F, v40  }
0x163: {  	v55 =	vshll.u32 v42, $0x2;
	v42 =	vand.u32 $0x7F, v42;
	v44 =	vand.u32 $0xFFFFFE00, v62  }
0x164: {  	v48 =	vand.u32 $0xFFFFFE00, v63;
	v51 =	vand.u32 $0xFFFFFE00, v50;
	v43 =	vor.u32 v43, v44  }
0x165: {  	v38 =	vor.u32 v38, v48;
	v49 =	vshll.u32 v36, $0x2;
	v36 =	vand.u32 $0x7F, v36  }
0x166: {  	v43 =	vadd.s32 v28, v43;
	v44 =	vand.u32 $0xFFFFFE00, v49;
	v38 =	vadd.s32 v29, v38  }
0x167: {  	v36 =	vor.u32 v36, v44;
	v52 =	vand.u32 $0x7F, v39;
	v39 =	vshll.u32 v39, $0x2  }
0x168: {  	v37 =	vor.u32 v37, v51;
	v36 =	vadd.s32 v30, v36;
	v39 =	vand.u32 $0xFFFFFE00, v39  }
0x169: {  	v45 =	vand.u32 $0xFFFFFE00, v53;
	v37 =	vadd.s32 v31, v37;
	v39 =	vor.u32 v52, v39  }
0x16a: {  	v41 =	vor.u32 v41, v45;
	v44 =	vand.u32 $0xFFFFFE00, v54;
	v39 =	vadd.s32 v32, v39  }
0x16b: {  	v56 =	vand.u32 $0xFFFFFE00, v55;
	v41 =	vadd.s32 v33, v41;
	v40 =	vor.u32 v40, v44;
	[tilespmem:v43+s13+$0x0] =	vst.idx.msk $0xffff, v4  }
0x16c: {  	v58 =	vor.u32 v42, v56;
	v57 =	vadd.s32 v34, v40;
	[tilespmem:v38+s13+$0x0] =	vst.idx.msk $0xffff, v4  }
0x16d: {  	v59 =	vmov s21;
	v60 =	vadd.s32 v35, v58;
	[tilespmem:v36+s13+$0x0] =	vst.idx.msk $0xffff, v4  }
0x16e: {  	vm13 =	veq.s32 v59, v23;
	[tilespmem:v37+s13+$0x0] =	vst.idx.msk $0xffff, v4  }
0x16f: {  	p0 =	sne.s32 s17, $0x30;
	vm14 =	vgt.u32 v47, $0x5;
	v61 =	vsel vm13, $0x0, v4;
	[tilespmem:v39+s13+$0x0] =	vst.idx.msk $0xffff, v4  }
.Ltmp2:
0x170: {  	vm15 =	vgt.u32 v47, $0x6;
	v62 =	vsel vm14, $0x3F800000, v7;
	[tilespmem:v41+s13+$0x0] =	vst.idx.msk $0xffff, v61;
	(pc) =	sbr.rel @p0 .LBB2_6-.Ltmp2, $4  }
0x171: {  	v63 =	vsel vm15, $0x3F800000, v7;
	[tilespmem:v57+s13+$0x0] =	vst.idx.msk $0xffff, v62  }
0x172: {  	[tilespmem:v60+s13+$0x0] =	vst.idx.msk $0xffff, v63  }
0x173: {  	[hbm4b:s19+s4] =	stream.linear.scatter [tilespmem:s13], [sflag:$0x2], $0x8000, $0x38;
	[tilespmem:$0x12400] =	vst v63  }
0x174: {  	s17 =	sadd.s32 $0x8, s17;
	s18 =	sadd.s32 $0x2000, s18;
	s19 =	sadd.s32 $0x2000, s19  }
0x175: {  	s16 =	sadd.s32 $0x1, s16  }
0x176: {  	_ =	swait.ge [sflag:s14], $0x8000;
	p0 =	sne.s32 s16, s8  }
.Ltmp3:
0x177: {  	[sflag:s14] =	ssyncset.done $0x0;
	(pc) =	sbr.rel @p0 .LBB2_1-.Ltmp3, $4  }
0x178: {  	[sflag:s14] =	ssyncadd.s32 $0xFFFF8000  }
0x179: {  	_ =	swait.ge [sflag:s15], $0x8000  }
0x17a: {  	[sflag:s15] =	ssyncset.done $0x0  }
0x17b: {  	[sflag:s15] =	ssyncadd.s32 $0xFFFF8000  }
0x17c: {  	_ =	sfence.sel $0x180000  }
0x17d: {  	[bflag:$0x0] =	sbarrier.arrive $0xFFFF  }
0x17e: {  	p0 =	sne.s32 s0, $0x0;
	_ =	strace $0x90000047  }
0x17f: {  	s0 =	sadd.s32 @!p0 $0x100000, s3;
	[bflag:$0x2] =	sbarrier.arrive $0xFFFF  }
0x180: {  	[sflag:s0] =	ssyncadd.tile.s32 @!p0 $0x1;
	_ =	shalt  }
.Lfunc_end2:
_tile_overlayer_lowered:
.L_overlay_start_2:
0x181: {  	(tag) =	ssettag $0x2  }
0x182: {  	s0 =	rddreg [dreg:$0x0];
	s2 =	stileid.u32  }
0x183: {  	s1 =	rddreg [dreg:$0x1];
	p0 =	sne.s32 s2, $0x0  }
0x184: {  	s3 =	rddreg [dreg:$0x2];
	[bflag:$0x3] =	sbarrier.arrive $0xFFFF;
	s2 =	simm.s32 @!p0 $0x1C04  }
0x185: {  	[timem:s3], [sflag:s2] =	dma.local @!p0 [hbm:s0], s1  }
0x186: {  	s0 =	simm.s32 @!p0 $0x4  }
0x187: {  	_ =	swait.ge @!p0 [sflag:s0], s1  }
0x188: {  	s1 =	ssub.s32 @!p0 $0x0, s1;
	[sflag:s0] =	ssyncset.done @!p0 $0x0  }
0x189: {  	[sflag:s0] =	ssyncadd.s32 @!p0 s1  }
0x18a: {  	[bflag:$0x3] =	sbarrier.arrive $0xFFFF  }
0x18b: {  	_ =	shalt  }

</sc_bundles>
